<compile_context>
chip_gen: v7x
topology: tpu7x:2x2x1
jax: 0.10.2.dev20260603
libtpu: 0.0.44.dev20260713+nightly
codegen_flags: <defaults>
</compile_context>

<pallas_src>
import functools

import numpy as np
import jax
import jax.numpy as jnp
from jax import lax
from jax.experimental import pallas as pl
from jax.experimental.pallas import tpu as pltpu

_A = 9
_H = 84
_W = 84
_WP = 88
_NPOS = _H * _W
_NPOSP = _H * _WP
_NANC = _NPOS * _A
_CH = 2
_ROWS_PER_CHUNK = _CH * _WP
_GRID = _H // _CH
_PRE_NMS = 6000
_POST_NMS = 300
_NMS_THRESH = 0.7
_MIN_SIZE = 16.0
_CLIP_MAX = float(_H * 16 - 1)
_NMS_PAD = 6144
_NB = _NMS_PAD // 128


def _np_anchors():
    base_size = 16
    ratios = np.array([0.5, 1.0, 2.0])
    scales = np.array([8.0, 16.0, 32.0])

    def whctrs(anchor):
        w = anchor[2] - anchor[0] + 1
        h = anchor[3] - anchor[1] + 1
        return w, h, anchor[0] + 0.5 * (w - 1), anchor[1] + 0.5 * (h - 1)

    def mkanchors(ws, hs, x_ctr, y_ctr):
        ws = ws[:, None]
        hs = hs[:, None]
        return np.hstack((x_ctr - 0.5 * (ws - 1), y_ctr - 0.5 * (hs - 1),
                          x_ctr + 0.5 * (ws - 1), y_ctr + 0.5 * (hs - 1)))

    base_anchor = np.array([1.0, 1.0, base_size, base_size]) - 1.0
    w, h, x_ctr, y_ctr = whctrs(base_anchor)
    size = w * h
    ws = np.round(np.sqrt(size / ratios))
    hs = np.round(ws * ratios)
    ratio_anchors = mkanchors(ws, hs, x_ctr, y_ctr)
    levels = []
    for i in range(ratio_anchors.shape[0]):
        w, h, x_ctr, y_ctr = whctrs(ratio_anchors[i, :])
        levels.append(mkanchors(w * scales, h * scales, x_ctr, y_ctr))
    base = np.vstack(levels)

    shift_x = np.arange(_W) * 16
    shift_y = np.arange(_H) * 16
    sx, sy = np.meshgrid(shift_x, shift_y)
    shifts = np.stack([sx.ravel(), sy.ravel(), sx.ravel(), sy.ravel()], axis=1)
    anc = (base[None, :, :] + shifts[:, None, :]).astype(np.float32)
    aw = anc[:, :, 2] - anc[:, :, 0] + np.float32(1.0)
    ah = anc[:, :, 3] - anc[:, :, 1] + np.float32(1.0)
    cx = anc[:, :, 0] + np.float32(0.5) * aw
    cy = anc[:, :, 1] + np.float32(0.5) * ah

    def widen(v, fill):
        vv = np.full((_H, _WP, _A), fill, np.float32)
        vv[:, :_W, :] = v.reshape(_H, _W, _A)
        return vv.reshape(_NPOSP, _A)

    return widen(aw, 1.0), widen(ah, 1.0), widen(cx, 0.0), widen(cy, 0.0)


_AW, _AH, _ACX, _ACY = _np_anchors()


def _conv_decode_body(x_ref, w1_ref, b1_ref, w2_ref, b2_ref,
                      aw_ref, ah_ref, cx_ref, cy_ref, out_ref):
    g = pl.program_id(0)

    zrow = jnp.zeros((1, 256), dtype=jnp.float32)
    acc = jnp.zeros((_ROWS_PER_CHUNK, 512), dtype=jnp.float32)
    for dy in (-1, 0, 1):
        v = x_ref[pl.ds((_CH * g + 1 + dy) * _WP, _ROWS_PER_CHUNK), :]
        for dx in (-1, 0, 1):
            s = (dy + 1) * 3 + (dx + 1)
            if dx == -1:
                xs = jnp.concatenate([zrow, v[:-1]], axis=0)
            elif dx == 1:
                xs = jnp.concatenate([v[1:], zrow], axis=0)
            else:
                xs = v
            acc = acc + jnp.dot(xs, w1_ref[s],
                                preferred_element_type=jnp.float32)
    rpn = jnp.maximum(acc + b1_ref[0][None, :], 0.0)

    combo = jnp.dot(rpn, w2_ref[...],
                    preferred_element_type=jnp.float32) + b2_ref[0][None, :]

    bg = combo[:, 0:9]
    fg = combo[:, 9:18]
    m = jnp.maximum(bg, fg)
    eb = jnp.exp(bg - m)
    ef = jnp.exp(fg - m)
    prob = ef / (eb + ef)

    dxv = combo[:, 18:27]
    dyv = combo[:, 27:36]
    dwv = combo[:, 36:45]
    dhv = combo[:, 45:54]

    aw = aw_ref[...]
    ah = ah_ref[...]
    cx = cx_ref[...]
    cy = cy_ref[...]

    pcx = dxv * aw + cx
    pcy = dyv * ah + cy
    pw = jnp.exp(dwv) * aw
    ph = jnp.exp(dhv) * ah
    x1 = jnp.clip(pcx - 0.5 * pw, 0.0, _CLIP_MAX)
    y1 = jnp.clip(pcy - 0.5 * ph, 0.0, _CLIP_MAX)
    x2 = jnp.clip(pcx + 0.5 * pw, 0.0, _CLIP_MAX)
    y2 = jnp.clip(pcy + 0.5 * ph, 0.0, _CLIP_MAX)

    valid = ((x2 - x1 + 1.0) >= _MIN_SIZE) & ((y2 - y1 + 1.0) >= _MIN_SIZE)
    score = jnp.where(valid, prob, -1e9)

    out_ref[...] = jnp.concatenate(
        [score, x1, y1, x2, y2, jnp.zeros((_ROWS_PER_CHUNK, 3), jnp.float32)],
        axis=1)


def _conv_decode(x_pad, w1, b1, w2, b2, aw, ah, cx, cy):
    full = lambda shape: pl.BlockSpec(shape, lambda g: (0,) * len(shape))
    anc_spec = pl.BlockSpec((_ROWS_PER_CHUNK, _A), lambda g: (g, 0))
    return pl.pallas_call(
        _conv_decode_body,
        grid=(_GRID,),
        in_specs=[
            full(x_pad.shape),
            full(w1.shape),
            full(b1.shape),
            full(w2.shape),
            full(b2.shape),
            anc_spec, anc_spec, anc_spec, anc_spec,
        ],
        out_specs=pl.BlockSpec((_ROWS_PER_CHUNK, 48), lambda g: (g, 0)),
        out_shape=jax.ShapeDtypeStruct((_NPOSP, 48), jnp.float32),
    )(x_pad, w1, b1, w2, b2, aw, ah, cx, cy)


def _col(v_row):
    return jnp.transpose(jnp.broadcast_to(v_row, (128, 128)))


def _nms_body(x1_ref, y1_ref, x2_ref, y2_ref, supp_ref, area_ref, alive_ref):
    area_ref[...] = ((x2_ref[...] - x1_ref[...] + 1.0) *
                     (y2_ref[...] - y1_ref[...] + 1.0))
    supp_ref[...] = jnp.ones((_NB, 128), jnp.float32)

    lane_j = lax.broadcasted_iota(jnp.int32, (128, 128), 1)
    sub_i = lax.broadcasted_iota(jnp.int32, (128, 128), 0)
    tri = lane_j > sub_i

    def k_body(carry):
        k, kept = carry
        x1k = _col(x1_ref[pl.ds(k, 1), :])
        y1k = _col(y1_ref[pl.ds(k, 1), :])
        x2k = _col(x2_ref[pl.ds(k, 1), :])
        y2k = _col(y2_ref[pl.ds(k, 1), :])
        ak = _col(area_ref[pl.ds(k, 1), :])

        def cross_body(p, suppc):
            x1p = x1_ref[pl.ds(p, 1), :]
            y1p = y1_ref[pl.ds(p, 1), :]
            x2p = x2_ref[pl.ds(p, 1), :]
            y2p = y2_ref[pl.ds(p, 1), :]
            ap = area_ref[pl.ds(p, 1), :]
            alive_p = alive_ref[pl.ds(p, 1), :]
            ww = jnp.maximum(0.0, jnp.minimum(x2k, x2p) -
                             jnp.maximum(x1k, x1p) + 1.0)
            hh = jnp.maximum(0.0, jnp.minimum(y2k, y2p) -
                             jnp.maximum(y1k, y1p) + 1.0)
            inter = ww * hh
            iou = inter / (ak + ap - inter)
            hit = jnp.where(iou > _NMS_THRESH, 1.0, 0.0) * alive_p
            return jnp.maximum(suppc, jnp.max(hit, axis=1, keepdims=True))

        suppc = lax.fori_loop(0, k, cross_body, jnp.zeros((128, 1), jnp.float32))

        x1r = x1_ref[pl.ds(k, 1), :]
        y1r = y1_ref[pl.ds(k, 1), :]
        x2r = x2_ref[pl.ds(k, 1), :]
        y2r = y2_ref[pl.ds(k, 1), :]
        ar = area_ref[pl.ds(k, 1), :]
        ww = jnp.maximum(0.0, jnp.minimum(x2k, x2r) - jnp.maximum(x1k, x1r) + 1.0)
        hh = jnp.maximum(0.0, jnp.minimum(y2k, y2r) - jnp.maximum(y1k, y1r) + 1.0)
        inter = ww * hh
        iou = inter / (ak + ar - inter)
        mkk2 = jnp.where((iou > _NMS_THRESH) & (sub_i > lane_j), 1.0, 0.0)

        def fx_cond(c):
            t, delta, _ = c
            return (delta > 0.5) & (t < 130)

        def fx_body(c):
            t, _, scol = c
            sm = jnp.transpose(jnp.broadcast_to(scol, (128, 128)))
            contrib = jnp.max(mkk2 * (1.0 - sm), axis=1, keepdims=True)
            scol_new = jnp.maximum(suppc, contrib)
            delta = jnp.sum(jnp.abs(scol_new - scol))
            return t + 1, delta, scol_new

        _, _, scol = lax.while_loop(
            fx_cond, fx_body,
            (jnp.int32(0), jnp.float32(1.0), suppc))
        sr = jnp.transpose(jnp.broadcast_to(scol, (128, 128)))[0:1, :]
        supp_ref[pl.ds(k, 1), :] = sr
        alive_ref[pl.ds(k, 1), :] = 1.0 - sr

        vw = x2r - x1r + 1.0
        vh = y2r - y1r + 1.0
        validk = jnp.where((vw >= _MIN_SIZE) & (vh >= _MIN_SIZE), 1.0, 0.0)
        kept = kept + jnp.sum((1.0 - sr) * validk)
        return k + 1, kept

    def k_cond(carry):
        k, kept = carry
        return (k < _NB) & (kept < float(_POST_NMS))

    lax.while_loop(k_cond, k_body, (jnp.int32(0), jnp.float32(0.0)))


def _nms(bx1, by1, bx2, by2):
    full = pl.BlockSpec((_NB, 128), lambda: (0, 0))
    return pl.pallas_call(
        _nms_body,
        in_specs=[full, full, full, full],
        out_specs=full,
        out_shape=jax.ShapeDtypeStruct((_NB, 128), jnp.float32),
        scratch_shapes=[
            pltpu.VMEM((_NB, 128), jnp.float32),
            pltpu.VMEM((_NB, 128), jnp.float32),
        ],
    )(bx1, by1, bx2, by2)


def kernel(base_feat, img_info, gt_boxes, W1, b1, W_cls, b_cls, W_bbox, b_bbox):
    x = base_feat[0].transpose(1, 2, 0)
    x = jnp.pad(x, ((1, 1), (0, _WP - _W), (0, 0)))
    x_pad = x.reshape((_H + 2) * _WP, 256)
    w1 = W1.transpose(2, 3, 1, 0).reshape(9, 256, 512)
    wcls = W_cls[:, :, 0, 0]
    wbox = W_bbox[:, :, 0, 0]
    perm = jnp.array([a * 4 + c for c in range(4) for a in range(_A)])
    w2 = jnp.concatenate(
        [wcls, wbox[perm], jnp.zeros((10, 512), jnp.float32)], axis=0).T
    b2 = jnp.concatenate(
        [b_cls, b_bbox[perm], jnp.zeros((10,), jnp.float32)])[None, :]

    outp = _conv_decode(x_pad, w1, b1[None, :], w2, b2,
                        jnp.asarray(_AW), jnp.asarray(_AH),
                        jnp.asarray(_ACX), jnp.asarray(_ACY))
    out = outp.reshape(_H, _WP, 48)[:, :_W, :].reshape(_NPOS, 48)

    scores = out[:, 0:9].reshape(-1)
    x1 = out[:, 9:18].reshape(-1)
    y1 = out[:, 18:27].reshape(-1)
    x2 = out[:, 27:36].reshape(-1)
    y2 = out[:, 36:45].reshape(-1)

    top_scores, top_idx = lax.top_k(scores, _PRE_NMS)
    tx1 = x1[top_idx]
    ty1 = y1[top_idx]
    tx2 = x2[top_idx]
    ty2 = y2[top_idx]

    def to_blocks(v, fill):
        return jnp.concatenate(
            [v, jnp.full((_NMS_PAD - _PRE_NMS,), fill, jnp.float32)]
        ).reshape(_NB, 128)

    supp = _nms(to_blocks(tx1, 0.0), to_blocks(ty1, 0.0),
                to_blocks(tx2, -1.0), to_blocks(ty2, -1.0))
    suppressed = supp.reshape(-1)[:_PRE_NMS] > 0.5

    masked = jnp.where(suppressed, -1e9, top_scores)
    _, keep = lax.top_k(masked, _POST_NMS)
    final = jnp.stack(
        [jnp.zeros((_POST_NMS,), jnp.float32),
         tx1[keep], ty1[keep], tx2[keep], ty2[keep]], axis=1)
    return final, jnp.zeros(()), jnp.zeros(())

# --- scband reference (transcript-rebuilt; emitter-appended) ---
"""Pipeline reference for scband-rpn-90400471646606 (READ-ONLY COPY).

The authoritative reference and input builder live on the scoring server;
editing this copy changes nothing except your own understanding.
"""

import jax
import jax.numpy as jnp
import numpy as np
from jax import lax

A = 9
FEAT_STRIDE = 16
PRE_NMS_TOP_N = 6000
POST_NMS_TOP_N = 300
NMS_THRESH = 0.7
MIN_SIZE = 16.0
H_FEAT = 84
W_FEAT = 84

def _whctrs(anchor):
    w = anchor[2] - anchor[0] + 1
    h = anchor[3] - anchor[1] + 1
    x_ctr = anchor[0] + 0.5 * (w - 1)
    y_ctr = anchor[1] + 0.5 * (h - 1)
    return w, h, x_ctr, y_ctr

def _mkanchors(ws, hs, x_ctr, y_ctr):
    ws = ws[:, None]
    hs = hs[:, None]
    return np.hstack((x_ctr - 0.5 * (ws - 1), y_ctr - 0.5 * (hs - 1), x_ctr + 0.5 * (ws - 1), y_ctr + 0.5 * (hs - 1)))

def _ratio_enum(anchor, ratios):
    w, h, x_ctr, y_ctr = _whctrs(anchor)
    size = w * h
    size_ratios = size / ratios
    ws = np.round(np.sqrt(size_ratios))
    hs = np.round(ws * ratios)
    return _mkanchors(ws, hs, x_ctr, y_ctr)

def _scale_enum(anchor, scales):
    w, h, x_ctr, y_ctr = _whctrs(anchor)
    ws = w * scales
    hs = h * scales
    return _mkanchors(ws, hs, x_ctr, y_ctr)

def generate_anchors(base_size=16, ratios=np.array([0.5, 1.0, 2.0]), scales=np.array([8.0, 16.0, 32.0])):
    base_anchor = np.array([1.0, 1.0, base_size, base_size]) - 1.0
    ratio_anchors = _ratio_enum(base_anchor, ratios)
    return np.vstack([_scale_enum(ratio_anchors[i, :], scales) for i in range(ratio_anchors.shape[0])])

def all_anchors(H, W):
    base = generate_anchors()
    shift_x = np.arange(W) * FEAT_STRIDE
    shift_y = np.arange(H) * FEAT_STRIDE
    sx, sy = np.meshgrid(shift_x, shift_y)
    shifts = np.stack([sx.ravel(), sy.ravel(), sx.ravel(), sy.ravel()], axis=1)
    anchors = (base[None, :, :] + shifts[:, None, :]).reshape(-1, 4)
    return jnp.asarray(anchors, dtype=jnp.float32)

def conv2d(x, w, b, pad):
    y = lax.conv_general_dilated(x, w, (1, 1), ((pad, pad), (pad, pad)), dimension_numbers=('NCHW', 'OIHW', 'NCHW'))
    return y + b[None, :, None, None]

def bbox_transform_inv(boxes, deltas):
    widths = boxes[:, 2] - boxes[:, 0] + 1.0
    heights = boxes[:, 3] - boxes[:, 1] + 1.0
    ctr_x = boxes[:, 0] + 0.5 * widths
    ctr_y = boxes[:, 1] + 0.5 * heights
    dx, dy, dw, dh = deltas[:, 0], deltas[:, 1], deltas[:, 2], deltas[:, 3]
    pred_ctr_x = dx * widths + ctr_x
    pred_ctr_y = dy * heights + ctr_y
    pred_w = jnp.exp(dw) * widths
    pred_h = jnp.exp(dh) * heights
    return jnp.stack([pred_ctr_x - 0.5 * pred_w, pred_ctr_y - 0.5 * pred_h, pred_ctr_x + 0.5 * pred_w, pred_ctr_y + 0.5 * pred_h], axis=1)

def clip_boxes(boxes, im_info):
    x1 = jnp.clip(boxes[:, 0], 0.0, im_info[1] - 1.0)
    y1 = jnp.clip(boxes[:, 1], 0.0, im_info[0] - 1.0)
    x2 = jnp.clip(boxes[:, 2], 0.0, im_info[1] - 1.0)
    y2 = jnp.clip(boxes[:, 3], 0.0, im_info[0] - 1.0)
    return jnp.stack([x1, y1, x2, y2], axis=1)

def nms_suppress(boxes, thresh):
    n = boxes.shape[0]
    x1, y1, x2, y2 = boxes[:, 0], boxes[:, 1], boxes[:, 2], boxes[:, 3]
    areas = (x2 - x1 + 1.0) * (y2 - y1 + 1.0)
    idxs = jnp.arange(n)
    def body(i, supp):
        xx1 = jnp.maximum(x1[i], x1)
        yy1 = jnp.maximum(y1[i], y1)
        xx2 = jnp.minimum(x2[i], x2)
        yy2 = jnp.minimum(y2[i], y2)
        w = jnp.maximum(0.0, xx2 - xx1 + 1.0)
        h = jnp.maximum(0.0, yy2 - yy1 + 1.0)
        inter = w * h
        iou = inter / (areas[i] + areas - inter)
        new = supp | ((iou > thresh) & (idxs > i))
        return jnp.where(supp[i], supp, new)
    return lax.fori_loop(0, n, body, jnp.zeros((n,), dtype=bool))

def proposal_layer(probs, bbox_deltas, img_info):
    H, W = probs.shape[2], probs.shape[3]
    anchors = all_anchors(H, W)
    fg_scores = jnp.transpose(probs[0, A:, :, :], (1, 2, 0)).reshape(-1)
    deltas = jnp.transpose(bbox_deltas[0], (1, 2, 0)).reshape(-1, 4)
    proposals = bbox_transform_inv(anchors, deltas)
    proposals = clip_boxes(proposals, img_info)
    ws = proposals[:, 2] - proposals[:, 0] + 1.0
    hs = proposals[:, 3] - proposals[:, 1] + 1.0
    min_size = MIN_SIZE * img_info[2]
    valid = (ws >= min_size) & (hs >= min_size)
    scores = jnp.where(valid, fg_scores, -1e9)
    top_scores, top_idx = lax.top_k(scores, PRE_NMS_TOP_N)
    top_boxes = proposals[top_idx]
    supp = lax.stop_gradient(nms_suppress(top_boxes, NMS_THRESH))
    masked = jnp.where(supp, -1e9, top_scores)
    _, keep_idx = lax.top_k(masked, POST_NMS_TOP_N)
    final_boxes = top_boxes[keep_idx]
    return jnp.concatenate([jnp.zeros((POST_NMS_TOP_N, 1), dtype=final_boxes.dtype), final_boxes], axis=1)

def setup_inputs(seed: int = 0):
    key = jax.random.key(seed)
    ks = jax.random.split(key, 6)
    base_feat = jax.random.normal(ks[0], (1, 256, H_FEAT, W_FEAT), dtype=jnp.float32)
    img_info = jnp.array([H_FEAT * FEAT_STRIDE, W_FEAT * FEAT_STRIDE, 1.0], dtype=jnp.float32)
    gt_boxes = jax.random.uniform(ks[1], (8, 6), dtype=jnp.float32) * 512.0
    W1 = jax.random.normal(ks[2], (512, 256, 3, 3), dtype=jnp.float32) * 0.01
    b1 = jnp.zeros((512,), dtype=jnp.float32)
    W_cls = jax.random.normal(ks[3], (2 * A, 512, 1, 1), dtype=jnp.float32) * 0.01
    b_cls = jnp.zeros((2 * A,), dtype=jnp.float32)
    W_bbox = jax.random.normal(ks[4], (4 * A, 512, 1, 1), dtype=jnp.float32) * 0.01
    b_bbox = jnp.zeros((4 * A,), dtype=jnp.float32)
    return {"base_feat": base_feat, "img_info": img_info, "gt_boxes": gt_boxes, "W1": W1, "b1": b1, "W_cls": W_cls, "b_cls": b_cls, "W_bbox": W_bbox, "b_bbox": b_bbox}

def reference(base_feat, img_info, gt_boxes, W1, b1, W_cls, b_cls, W_bbox, b_bbox):
    rpn = jax.nn.relu(conv2d(base_feat, W1, b1, 1))
    scores = conv2d(rpn, W_cls, b_cls, 0)
    n, _, h, w = scores.shape
    scores_reshape = scores.reshape(n, 2, -1, w)
    probs_reshape = jax.nn.softmax(scores_reshape, axis=1)
    probs = probs_reshape.reshape(n, 2 * A, -1, w)
    anchor_deltas = conv2d(rpn, W_bbox, b_bbox, 0)
    proposals = proposal_layer(probs, anchor_deltas, img_info)
    return proposals, jnp.zeros(()), jnp.zeros(())

if __name__ == "__main__":
    import jax
    _d = setup_inputs()
    print(jax.jit(kernel)(*tuple(_d.values())))

</pallas_src>

<mosaic_0001>
module attributes {stable_mosaic.version = 14 : i64} {
  func.func @_conv_decode_body(%arg0: i32, %arg1: memref<7568x256xf32, #tpu.memory_space<vmem>>, %arg2: memref<9x256x512xf32, #tpu.memory_space<vmem>>, %arg3: memref<1x512xf32, #tpu.memory_space<vmem>>, %arg4: memref<512x64xf32, #tpu.memory_space<vmem>>, %arg5: memref<1x64xf32, #tpu.memory_space<vmem>>, %arg6: memref<176x9xf32, #tpu.memory_space<vmem>>, %arg7: memref<176x9xf32, #tpu.memory_space<vmem>>, %arg8: memref<176x9xf32, #tpu.memory_space<vmem>>, %arg9: memref<176x9xf32, #tpu.memory_space<vmem>>, %arg10: memref<176x48xf32, #tpu.memory_space<vmem>>) attributes {dimension_semantics = [#tpu.dimension_semantics<arbitrary>], iteration_bounds = array<i64: 42>, scalar_prefetch = 0 : i64, scratch_operands = 0 : i64, tpu.core_type = #tpu.core_type<tc>, window_params = [{pipeline_mode = #tpu.pipeline_mode<synchronous>, transform_indices = @transform_0, window_bounds = array<i64: 7568, 256>}, {pipeline_mode = #tpu.pipeline_mode<synchronous>, transform_indices = @transform_1, window_bounds = array<i64: 9, 256, 512>}, {pipeline_mode = #tpu.pipeline_mode<synchronous>, transform_indices = @transform_2, window_bounds = array<i64: 1, 512>}, {pipeline_mode = #tpu.pipeline_mode<synchronous>, transform_indices = @transform_3, window_bounds = array<i64: 512, 64>}, {pipeline_mode = #tpu.pipeline_mode<synchronous>, transform_indices = @transform_4, window_bounds = array<i64: 1, 64>}, {transform_indices = @transform_5, window_bounds = array<i64: 176, 9>}, {transform_indices = @transform_6, window_bounds = array<i64: 176, 9>}, {transform_indices = @transform_7, window_bounds = array<i64: 176, 9>}, {transform_indices = @transform_8, window_bounds = array<i64: 176, 9>}, {transform_indices = @transform_9, window_bounds = array<i64: 176, 48>}]} {
    %broadcast_in_dim3A = arith.constant 0.000000e+00 : f32
    %broadcast_in_dim3A_0 = vector.broadcast %broadcast_in_dim3A : f32 to vector<1x256xf32>
    %broadcast_in_dim3A_1 = arith.constant 0.000000e+00 : f32
    %broadcast_in_dim3A_2 = vector.broadcast %broadcast_in_dim3A_1 : f32 to vector<176x512xf32>
    %mul3A = arith.constant 2 : i32
    %mul3A_3 = arith.muli %mul3A, %arg0 : i32
    %add3A = arith.constant 1 : i32
    %add3A_4 = arith.addi %mul3A_3, %add3A : i32
    %add3A_5 = arith.constant -1 : i32
    %add3A_6 = arith.addi %add3A_4, %add3A_5 : i32
    %mul3A_7 = arith.constant 88 : i32
    %mul3A_8 = arith.muli %add3A_6, %mul3A_7 : i32
    %get3A = arith.index_cast %mul3A_8 : i32 to index
    %get3A_9 = arith.constant 0 : index
    %get3A_10 = vector.load %arg1[%get3A, %get3A_9] : memref<7568x256xf32, #tpu.memory_space<vmem>>, vector<176x256xf32>
    %slice3A = vector.extract_strided_slice %get3A_10 {offsets = [0, 0], sizes = [175, 256], strides = [1, 1]} : vector<176x256xf32> to vector<175x256xf32>
    %concatenate3A = tpu.concatenate %broadcast_in_dim3A_0, %slice3A in 0 : vector<1x256xf32>, vector<175x256xf32> -> vector<176x256xf32>
    %get3A_11 = arith.constant 0 : index
    %get3A_12 = arith.constant 0 : index
    %get3A_13 = arith.constant 0 : index
    %get3A_14 = vector.load %arg2[%get3A_11, %get3A_12, %get3A_13] : memref<9x256x512xf32, #tpu.memory_space<vmem>>, vector<1x256x512xf32>
    %get3A_15 = vector.shape_cast %get3A_14 : vector<1x256x512xf32> to vector<256x512xf32>
    %dot_general3A = arith.constant dense<0.000000e+00> : vector<176x512xf32>
    %dot_general3A_16 = tpu.matmul %concatenate3A, %get3A_15, %dot_general3A {dimension_numbers = #tpu.dot_dimension_numbers<[1], [0], [0], [1], [0, 0, 1, 1], [], []>, transpose_lhs_hint = false} : vector<176x256xf32>, vector<256x512xf32>, vector<176x512xf32> -> vector<176x512xf32>
    %add3A_17 = arith.addf %broadcast_in_dim3A_2, %dot_general3A_16 : vector<176x512xf32>
    %get3A_18 = arith.constant 1 : index
    %get3A_19 = arith.constant 0 : index
    %get3A_20 = arith.constant 0 : index
    %get3A_21 = vector.load %arg2[%get3A_18, %get3A_19, %get3A_20] : memref<9x256x512xf32, #tpu.memory_space<vmem>>, vector<1x256x512xf32>
    %get3A_22 = vector.shape_cast %get3A_21 : vector<1x256x512xf32> to vector<256x512xf32>
    %dot_general3A_23 = arith.constant dense<0.000000e+00> : vector<176x512xf32>
    %dot_general3A_24 = tpu.matmul %get3A_10, %get3A_22, %dot_general3A_23 {dimension_numbers = #tpu.dot_dimension_numbers<[1], [0], [0], [1], [0, 0, 1, 1], [], []>, transpose_lhs_hint = false} : vector<176x256xf32>, vector<256x512xf32>, vector<176x512xf32> -> vector<176x512xf32>
    %add3A_25 = arith.addf %add3A_17, %dot_general3A_24 : vector<176x512xf32>
    %slice3A_26 = vector.extract_strided_slice %get3A_10 {offsets = [1, 0], sizes = [175, 256], strides = [1, 1]} : vector<176x256xf32> to vector<175x256xf32>
    %concatenate3A_27 = tpu.concatenate %slice3A_26, %broadcast_in_dim3A_0 in 0 : vector<175x256xf32>, vector<1x256xf32> -> vector<176x256xf32>
    %get3A_28 = arith.constant 2 : index
    %get3A_29 = arith.constant 0 : index
    %get3A_30 = arith.constant 0 : index
    %get3A_31 = vector.load %arg2[%get3A_28, %get3A_29, %get3A_30] : memref<9x256x512xf32, #tpu.memory_space<vmem>>, vector<1x256x512xf32>
    %get3A_32 = vector.shape_cast %get3A_31 : vector<1x256x512xf32> to vector<256x512xf32>
    %dot_general3A_33 = arith.constant dense<0.000000e+00> : vector<176x512xf32>
    %dot_general3A_34 = tpu.matmul %concatenate3A_27, %get3A_32, %dot_general3A_33 {dimension_numbers = #tpu.dot_dimension_numbers<[1], [0], [0], [1], [0, 0, 1, 1], [], []>, transpose_lhs_hint = false} : vector<176x256xf32>, vector<256x512xf32>, vector<176x512xf32> -> vector<176x512xf32>
    %add3A_35 = arith.addf %add3A_25, %dot_general3A_34 : vector<176x512xf32>
    %mul3A_36 = arith.constant 2 : i32
    %mul3A_37 = arith.muli %mul3A_36, %arg0 : i32
    %add3A_38 = arith.constant 1 : i32
    %add3A_39 = arith.addi %mul3A_37, %add3A_38 : i32
    %add3A_40 = arith.constant 0 : i32
    %add3A_41 = arith.addi %add3A_39, %add3A_40 : i32
    %mul3A_42 = arith.constant 88 : i32
    %mul3A_43 = arith.muli %add3A_41, %mul3A_42 : i32
    %get3A_44 = arith.index_cast %mul3A_43 : i32 to index
    %get3A_45 = arith.constant 0 : index
    %get3A_46 = vector.load %arg1[%get3A_44, %get3A_45] : memref<7568x256xf32, #tpu.memory_space<vmem>>, vector<176x256xf32>
    %slice3A_47 = vector.extract_strided_slice %get3A_46 {offsets = [0, 0], sizes = [175, 256], strides = [1, 1]} : vector<176x256xf32> to vector<175x256xf32>
    %concatenate3A_48 = tpu.concatenate %broadcast_in_dim3A_0, %slice3A_47 in 0 : vector<1x256xf32>, vector<175x256xf32> -> vector<176x256xf32>
    %get3A_49 = arith.constant 3 : index
    %get3A_50 = arith.constant 0 : index
    %get3A_51 = arith.constant 0 : index
    %get3A_52 = vector.load %arg2[%get3A_49, %get3A_50, %get3A_51] : memref<9x256x512xf32, #tpu.memory_space<vmem>>, vector<1x256x512xf32>
    %get3A_53 = vector.shape_cast %get3A_52 : vector<1x256x512xf32> to vector<256x512xf32>
    %dot_general3A_54 = arith.constant dense<0.000000e+00> : vector<176x512xf32>
    %dot_general3A_55 = tpu.matmul %concatenate3A_48, %get3A_53, %dot_general3A_54 {dimension_numbers = #tpu.dot_dimension_numbers<[1], [0], [0], [1], [0, 0, 1, 1], [], []>, transpose_lhs_hint = false} : vector<176x256xf32>, vector<256x512xf32>, vector<176x512xf32> -> vector<176x512xf32>
    %add3A_56 = arith.addf %add3A_35, %dot_general3A_55 : vector<176x512xf32>
    %get3A_57 = arith.constant 4 : index
    %get3A_58 = arith.constant 0 : index
    %get3A_59 = arith.constant 0 : index
    %get3A_60 = vector.load %arg2[%get3A_57, %get3A_58, %get3A_59] : memref<9x256x512xf32, #tpu.memory_space<vmem>>, vector<1x256x512xf32>
    %get3A_61 = vector.shape_cast %get3A_60 : vector<1x256x512xf32> to vector<256x512xf32>
    %dot_general3A_62 = arith.constant dense<0.000000e+00> : vector<176x512xf32>
    %dot_general3A_63 = tpu.matmul %get3A_46, %get3A_61, %dot_general3A_62 {dimension_numbers = #tpu.dot_dimension_numbers<[1], [0], [0], [1], [0, 0, 1, 1], [], []>, transpose_lhs_hint = false} : vector<176x256xf32>, vector<256x512xf32>, vector<176x512xf32> -> vector<176x512xf32>
    %add3A_64 = arith.addf %add3A_56, %dot_general3A_63 : vector<176x512xf32>
    %slice3A_65 = vector.extract_strided_slice %get3A_46 {offsets = [1, 0], sizes = [175, 256], strides = [1, 1]} : vector<176x256xf32> to vector<175x256xf32>
    %concatenate3A_66 = tpu.concatenate %slice3A_65, %broadcast_in_dim3A_0 in 0 : vector<175x256xf32>, vector<1x256xf32> -> vector<176x256xf32>
    %get3A_67 = arith.constant 5 : index
    %get3A_68 = arith.constant 0 : index
    %get3A_69 = arith.constant 0 : index
    %get3A_70 = vector.load %arg2[%get3A_67, %get3A_68, %get3A_69] : memref<9x256x512xf32, #tpu.memory_space<vmem>>, vector<1x256x512xf32>
    %get3A_71 = vector.shape_cast %get3A_70 : vector<1x256x512xf32> to vector<256x512xf32>
    %dot_general3A_72 = arith.constant dense<0.000000e+00> : vector<176x512xf32>
    %dot_general3A_73 = tpu.matmul %concatenate3A_66, %get3A_71, %dot_general3A_72 {dimension_numbers = #tpu.dot_dimension_numbers<[1], [0], [0], [1], [0, 0, 1, 1], [], []>, transpose_lhs_hint = false} : vector<176x256xf32>, vector<256x512xf32>, vector<176x512xf32> -> vector<176x512xf32>
    %add3A_74 = arith.addf %add3A_64, %dot_general3A_73 : vector<176x512xf32>
    %mul3A_75 = arith.constant 2 : i32
    %mul3A_76 = arith.muli %mul3A_75, %arg0 : i32
    %add3A_77 = arith.constant 1 : i32
    %add3A_78 = arith.addi %mul3A_76, %add3A_77 : i32
    %add3A_79 = arith.constant 1 : i32
    %add3A_80 = arith.addi %add3A_78, %add3A_79 : i32
    %mul3A_81 = arith.constant 88 : i32
    %mul3A_82 = arith.muli %add3A_80, %mul3A_81 : i32
    %get3A_83 = arith.index_cast %mul3A_82 : i32 to index
    %get3A_84 = arith.constant 0 : index
    %get3A_85 = vector.load %arg1[%get3A_83, %get3A_84] : memref<7568x256xf32, #tpu.memory_space<vmem>>, vector<176x256xf32>
    %slice3A_86 = vector.extract_strided_slice %get3A_85 {offsets = [0, 0], sizes = [175, 256], strides = [1, 1]} : vector<176x256xf32> to vector<175x256xf32>
    %concatenate3A_87 = tpu.concatenate %broadcast_in_dim3A_0, %slice3A_86 in 0 : vector<1x256xf32>, vector<175x256xf32> -> vector<176x256xf32>
    %get3A_88 = arith.constant 6 : index
    %get3A_89 = arith.constant 0 : index
    %get3A_90 = arith.constant 0 : index
    %get3A_91 = vector.load %arg2[%get3A_88, %get3A_89, %get3A_90] : memref<9x256x512xf32, #tpu.memory_space<vmem>>, vector<1x256x512xf32>
    %get3A_92 = vector.shape_cast %get3A_91 : vector<1x256x512xf32> to vector<256x512xf32>
    %dot_general3A_93 = arith.constant dense<0.000000e+00> : vector<176x512xf32>
    %dot_general3A_94 = tpu.matmul %concatenate3A_87, %get3A_92, %dot_general3A_93 {dimension_numbers = #tpu.dot_dimension_numbers<[1], [0], [0], [1], [0, 0, 1, 1], [], []>, transpose_lhs_hint = false} : vector<176x256xf32>, vector<256x512xf32>, vector<176x512xf32> -> vector<176x512xf32>
    %add3A_95 = arith.addf %add3A_74, %dot_general3A_94 : vector<176x512xf32>
    %get3A_96 = arith.constant 7 : index
    %get3A_97 = arith.constant 0 : index
    %get3A_98 = arith.constant 0 : index
    %get3A_99 = vector.load %arg2[%get3A_96, %get3A_97, %get3A_98] : memref<9x256x512xf32, #tpu.memory_space<vmem>>, vector<1x256x512xf32>
    %get3A_100 = vector.shape_cast %get3A_99 : vector<1x256x512xf32> to vector<256x512xf32>
    %dot_general3A_101 = arith.constant dense<0.000000e+00> : vector<176x512xf32>
    %dot_general3A_102 = tpu.matmul %get3A_85, %get3A_100, %dot_general3A_101 {dimension_numbers = #tpu.dot_dimension_numbers<[1], [0], [0], [1], [0, 0, 1, 1], [], []>, transpose_lhs_hint = false} : vector<176x256xf32>, vector<256x512xf32>, vector<176x512xf32> -> vector<176x512xf32>
    %add3A_103 = arith.addf %add3A_95, %dot_general3A_102 : vector<176x512xf32>
    %slice3A_104 = vector.extract_strided_slice %get3A_85 {offsets = [1, 0], sizes = [175, 256], strides = [1, 1]} : vector<176x256xf32> to vector<175x256xf32>
    %concatenate3A_105 = tpu.concatenate %slice3A_104, %broadcast_in_dim3A_0 in 0 : vector<175x256xf32>, vector<1x256xf32> -> vector<176x256xf32>
    %get3A_106 = arith.constant 8 : index
    %get3A_107 = arith.constant 0 : index
    %get3A_108 = arith.constant 0 : index
    %get3A_109 = vector.load %arg2[%get3A_106, %get3A_107, %get3A_108] : memref<9x256x512xf32, #tpu.memory_space<vmem>>, vector<1x256x512xf32>
    %get3A_110 = vector.shape_cast %get3A_109 : vector<1x256x512xf32> to vector<256x512xf32>
    %dot_general3A_111 = arith.constant dense<0.000000e+00> : vector<176x512xf32>
    %dot_general3A_112 = tpu.matmul %concatenate3A_105, %get3A_110, %dot_general3A_111 {dimension_numbers = #tpu.dot_dimension_numbers<[1], [0], [0], [1], [0, 0, 1, 1], [], []>, transpose_lhs_hint = false} : vector<176x256xf32>, vector<256x512xf32>, vector<176x512xf32> -> vector<176x512xf32>
    %add3A_113 = arith.addf %add3A_103, %dot_general3A_112 : vector<176x512xf32>
    %get3A_114 = arith.constant 0 : index
    %get3A_115 = arith.constant 0 : index
    %get3A_116 = vector.load %arg3[%get3A_114, %get3A_115] : memref<1x512xf32, #tpu.memory_space<vmem>>, vector<1x512xf32>
    %get3A_117 = vector.shape_cast %get3A_116 : vector<1x512xf32> to vector<512xf32>
    %broadcast_in_dim3A_118 = vector.shape_cast %get3A_117 : vector<512xf32> to vector<1x512xf32>
    %add3A_119 = vector.broadcast %broadcast_in_dim3A_118 : vector<1x512xf32> to vector<176x512xf32>
    %add3A_120 = arith.addf %add3A_113, %add3A_119 : vector<176x512xf32>
    %max3A = arith.constant 0.000000e+00 : f32
    %max3A_121 = vector.broadcast %max3A : f32 to vector<176x512xf32>
    %max3A_122 = arith.maximumf %add3A_120, %max3A_121 : vector<176x512xf32>
    %get3A_123 = arith.constant 0 : index
    %get3A_124 = arith.constant 0 : index
    %get3A_125 = vector.load %arg4[%get3A_123, %get3A_124] : memref<512x64xf32, #tpu.memory_space<vmem>>, vector<512x64xf32>
    %dot_general3A_126 = arith.constant dense<0.000000e+00> : vector<176x64xf32>
    %dot_general3A_127 = tpu.matmul %max3A_122, %get3A_125, %dot_general3A_126 {dimension_numbers = #tpu.dot_dimension_numbers<[1], [0], [0], [1], [0, 0, 1, 1], [], []>, transpose_lhs_hint = false} : vector<176x512xf32>, vector<512x64xf32>, vector<176x64xf32> -> vector<176x64xf32>
    %get3A_128 = arith.constant 0 : index
    %get3A_129 = arith.constant 0 : index
    %get3A_130 = vector.load %arg5[%get3A_128, %get3A_129] : memref<1x64xf32, #tpu.memory_space<vmem>>, vector<1x64xf32>
    %get3A_131 = vector.shape_cast %get3A_130 : vector<1x64xf32> to vector<64xf32>
    %broadcast_in_dim3A_132 = vector.shape_cast %get3A_131 : vector<64xf32> to vector<1x64xf32>
    %add3A_133 = vector.broadcast %broadcast_in_dim3A_132 : vector<1x64xf32> to vector<176x64xf32>
    %add3A_134 = arith.addf %dot_general3A_127, %add3A_133 : vector<176x64xf32>
    %slice3A_135 = vector.extract_strided_slice %add3A_134 {offsets = [0, 0], sizes = [176, 9], strides = [1, 1]} : vector<176x64xf32> to vector<176x9xf32>
    %slice3A_136 = vector.extract_strided_slice %add3A_134 {offsets = [0, 9], sizes = [176, 9], strides = [1, 1]} : vector<176x64xf32> to vector<176x9xf32>
    %max3A_137 = arith.maximumf %slice3A_135, %slice3A_136 : vector<176x9xf32>
    %sub3A = arith.subf %slice3A_135, %max3A_137 : vector<176x9xf32>
    %exp3A = math.exp %sub3A : vector<176x9xf32>
    %sub3A_138 = arith.subf %slice3A_136, %max3A_137 : vector<176x9xf32>
    %exp3A_139 = math.exp %sub3A_138 : vector<176x9xf32>
    %add3A_140 = arith.addf %exp3A, %exp3A_139 : vector<176x9xf32>
    %div3A = arith.divf %exp3A_139, %add3A_140 : vector<176x9xf32>
    %slice3A_141 = vector.extract_strided_slice %add3A_134 {offsets = [0, 18], sizes = [176, 9], strides = [1, 1]} : vector<176x64xf32> to vector<176x9xf32>
    %slice3A_142 = vector.extract_strided_slice %add3A_134 {offsets = [0, 27], sizes = [176, 9], strides = [1, 1]} : vector<176x64xf32> to vector<176x9xf32>
    %slice3A_143 = vector.extract_strided_slice %add3A_134 {offsets = [0, 36], sizes = [176, 9], strides = [1, 1]} : vector<176x64xf32> to vector<176x9xf32>
    %slice3A_144 = vector.extract_strided_slice %add3A_134 {offsets = [0, 45], sizes = [176, 9], strides = [1, 1]} : vector<176x64xf32> to vector<176x9xf32>
    %get3A_145 = arith.constant 0 : index
    %get3A_146 = arith.constant 0 : index
    %get3A_147 = vector.load %arg6[%get3A_145, %get3A_146] : memref<176x9xf32, #tpu.memory_space<vmem>>, vector<176x9xf32>
    %get3A_148 = arith.constant 0 : index
    %get3A_149 = arith.constant 0 : index
    %get3A_150 = vector.load %arg7[%get3A_148, %get3A_149] : memref<176x9xf32, #tpu.memory_space<vmem>>, vector<176x9xf32>
    %get3A_151 = arith.constant 0 : index
    %get3A_152 = arith.constant 0 : index
    %get3A_153 = vector.load %arg8[%get3A_151, %get3A_152] : memref<176x9xf32, #tpu.memory_space<vmem>>, vector<176x9xf32>
    %get3A_154 = arith.constant 0 : index
    %get3A_155 = arith.constant 0 : index
    %get3A_156 = vector.load %arg9[%get3A_154, %get3A_155] : memref<176x9xf32, #tpu.memory_space<vmem>>, vector<176x9xf32>
    %mul3A_157 = arith.mulf %slice3A_141, %get3A_147 : vector<176x9xf32>
    %add3A_158 = arith.addf %mul3A_157, %get3A_153 : vector<176x9xf32>
    %mul3A_159 = arith.mulf %slice3A_142, %get3A_150 : vector<176x9xf32>
    %add3A_160 = arith.addf %mul3A_159, %get3A_156 : vector<176x9xf32>
    %exp3A_161 = math.exp %slice3A_143 : vector<176x9xf32>
    %mul3A_162 = arith.mulf %exp3A_161, %get3A_147 : vector<176x9xf32>
    %exp3A_163 = math.exp %slice3A_144 : vector<176x9xf32>
    %mul3A_164 = arith.mulf %exp3A_163, %get3A_150 : vector<176x9xf32>
    %mul3A_165 = arith.constant 5.000000e-01 : f32
    %mul3A_166 = vector.broadcast %mul3A_165 : f32 to vector<176x9xf32>
    %mul3A_167 = arith.mulf %mul3A_166, %mul3A_162 : vector<176x9xf32>
    %sub3A_168 = arith.subf %add3A_158, %mul3A_167 : vector<176x9xf32>
    %jit3A = arith.constant 0.000000e+00 : f32
    %jit3A_169 = arith.constant 1.343000e+03 : f32
    %max3A_170 = vector.broadcast %jit3A : f32 to vector<176x9xf32>
    %max3A_171 = arith.maximumf %max3A_170, %sub3A_168 : vector<176x9xf32>
    %min3A = vector.broadcast %jit3A_169 : f32 to vector<176x9xf32>
    %min3A_172 = arith.minimumf %min3A, %max3A_171 : vector<176x9xf32>
    %mul3A_173 = arith.constant 5.000000e-01 : f32
    %mul3A_174 = vector.broadcast %mul3A_173 : f32 to vector<176x9xf32>
    %mul3A_175 = arith.mulf %mul3A_174, %mul3A_164 : vector<176x9xf32>
    %sub3A_176 = arith.subf %add3A_160, %mul3A_175 : vector<176x9xf32>
    %jit3A_177 = arith.constant 0.000000e+00 : f32
    %jit3A_178 = arith.constant 1.343000e+03 : f32
    %max3A_179 = vector.broadcast %jit3A_177 : f32 to vector<176x9xf32>
    %max3A_180 = arith.maximumf %max3A_179, %sub3A_176 : vector<176x9xf32>
    %min3A_181 = vector.broadcast %jit3A_178 : f32 to vector<176x9xf32>
    %min3A_182 = arith.minimumf %min3A_181, %max3A_180 : vector<176x9xf32>
    %mul3A_183 = arith.constant 5.000000e-01 : f32
    %mul3A_184 = vector.broadcast %mul3A_183 : f32 to vector<176x9xf32>
    %mul3A_185 = arith.mulf %mul3A_184, %mul3A_162 : vector<176x9xf32>
    %add3A_186 = arith.addf %add3A_158, %mul3A_185 : vector<176x9xf32>
    %jit3A_187 = arith.constant 0.000000e+00 : f32
    %jit3A_188 = arith.constant 1.343000e+03 : f32
    %max3A_189 = vector.broadcast %jit3A_187 : f32 to vector<176x9xf32>
    %max3A_190 = arith.maximumf %max3A_189, %add3A_186 : vector<176x9xf32>
    %min3A_191 = vector.broadcast %jit3A_188 : f32 to vector<176x9xf32>
    %min3A_192 = arith.minimumf %min3A_191, %max3A_190 : vector<176x9xf32>
    %mul3A_193 = arith.constant 5.000000e-01 : f32
    %mul3A_194 = vector.broadcast %mul3A_193 : f32 to vector<176x9xf32>
    %mul3A_195 = arith.mulf %mul3A_194, %mul3A_164 : vector<176x9xf32>
    %add3A_196 = arith.addf %add3A_160, %mul3A_195 : vector<176x9xf32>
    %jit3A_197 = arith.constant 0.000000e+00 : f32
    %jit3A_198 = arith.constant 1.343000e+03 : f32
    %max3A_199 = vector.broadcast %jit3A_197 : f32 to vector<176x9xf32>
    %max3A_200 = arith.maximumf %max3A_199, %add3A_196 : vector<176x9xf32>
    %min3A_201 = vector.broadcast %jit3A_198 : f32 to vector<176x9xf32>
    %min3A_202 = arith.minimumf %min3A_201, %max3A_200 : vector<176x9xf32>
    %sub3A_203 = arith.subf %min3A_192, %min3A_172 : vector<176x9xf32>
    %add3A_204 = arith.constant 1.000000e+00 : f32
    %add3A_205 = vector.broadcast %add3A_204 : f32 to vector<176x9xf32>
    %add3A_206 = arith.addf %sub3A_203, %add3A_205 : vector<176x9xf32>
    %ge3A = arith.constant 1.600000e+01 : f32
    %ge3A_207 = vector.broadcast %ge3A : f32 to vector<176x9xf32>
    %ge3A_208 = arith.cmpf oge, %add3A_206, %ge3A_207 : vector<176x9xf32>
    %sub3A_209 = arith.subf %min3A_202, %min3A_182 : vector<176x9xf32>
    %add3A_210 = arith.constant 1.000000e+00 : f32
    %add3A_211 = vector.broadcast %add3A_210 : f32 to vector<176x9xf32>
    %add3A_212 = arith.addf %sub3A_209, %add3A_211 : vector<176x9xf32>
    %ge3A_213 = arith.constant 1.600000e+01 : f32
    %ge3A_214 = vector.broadcast %ge3A_213 : f32 to vector<176x9xf32>
    %ge3A_215 = arith.cmpf oge, %add3A_212, %ge3A_214 : vector<176x9xf32>
    %and3A = arith.andi %ge3A_208, %ge3A_215 : vector<176x9xi1>
    %jit3A_216 = arith.constant -1.000000e+09 : f32
    %broadcast_in_dim3A_217 = vector.broadcast %jit3A_216 : f32 to vector<176x9xf32>
    %select_n3A = arith.select %and3A, %div3A, %broadcast_in_dim3A_217 : vector<176x9xi1>, vector<176x9xf32>
    %broadcast_in_dim3A_218 = arith.constant 0.000000e+00 : f32
    %broadcast_in_dim3A_219 = vector.broadcast %broadcast_in_dim3A_218 : f32 to vector<176x3xf32>
    %concatenate3A_220 = tpu.concatenate %select_n3A, %min3A_172, %min3A_182, %min3A_192, %min3A_202, %broadcast_in_dim3A_219 in 1 : vector<176x9xf32>, vector<176x9xf32>, vector<176x9xf32>, vector<176x9xf32>, vector<176x9xf32>, vector<176x3xf32> -> vector<176x48xf32>
    %swap3A = arith.constant 0 : index
    %swap3A_221 = arith.constant 0 : index
    %swap3A_222 = vector.load %arg10[%swap3A, %swap3A_221] : memref<176x48xf32, #tpu.memory_space<vmem>>, vector<176x48xf32>
    tpu.vector_store %arg10[%swap3A, %swap3A_221], %concatenate3A_220 {strides = array<i32>} : memref<176x48xf32, #tpu.memory_space<vmem>>, vector<176x48xf32>,
    return
  }
  func.func @transform_0(%arg0: i32) -> (i32, i32) {
    %c0_i32 = arith.constant 0 : i32
    %c0_i32_0 = arith.constant 0 : i32
    %c0_i32_1 = arith.constant 0 : i32
    return %c0_i32, %c0_i32_0 : i32, i32
  }
  func.func @transform_1(%arg0: i32) -> (i32, i32, i32) {
    %c0_i32 = arith.constant 0 : i32
    %c0_i32_0 = arith.constant 0 : i32
    %c0_i32_1 = arith.constant 0 : i32
    %c0_i32_2 = arith.constant 0 : i32
    return %c0_i32, %c0_i32_0, %c0_i32_1 : i32, i32, i32
  }
  func.func @transform_2(%arg0: i32) -> (i32, i32) {
    %c0_i32 = arith.constant 0 : i32
    %c0_i32_0 = arith.constant 0 : i32
    %c0_i32_1 = arith.constant 0 : i32
    return %c0_i32, %c0_i32_0 : i32, i32
  }
  func.func @transform_3(%arg0: i32) -> (i32, i32) {
    %c0_i32 = arith.constant 0 : i32
    %c0_i32_0 = arith.constant 0 : i32
    %c0_i32_1 = arith.constant 0 : i32
    return %c0_i32, %c0_i32_0 : i32, i32
  }
  func.func @transform_4(%arg0: i32) -> (i32, i32) {
    %c0_i32 = arith.constant 0 : i32
    %c0_i32_0 = arith.constant 0 : i32
    %c0_i32_1 = arith.constant 0 : i32
    return %c0_i32, %c0_i32_0 : i32, i32
  }
  func.func @transform_5(%arg0: i32) -> (i32, i32) {
    %c0_i32 = arith.constant 0 : i32
    %c0_i32_0 = arith.constant 0 : i32
    return %arg0, %c0_i32 : i32, i32
  }
  func.func @transform_6(%arg0: i32) -> (i32, i32) {
    %c0_i32 = arith.constant 0 : i32
    %c0_i32_0 = arith.constant 0 : i32
    return %arg0, %c0_i32 : i32, i32
  }
  func.func @transform_7(%arg0: i32) -> (i32, i32) {
    %c0_i32 = arith.constant 0 : i32
    %c0_i32_0 = arith.constant 0 : i32
    return %arg0, %c0_i32 : i32, i32
  }
  func.func @transform_8(%arg0: i32) -> (i32, i32) {
    %c0_i32 = arith.constant 0 : i32
    %c0_i32_0 = arith.constant 0 : i32
    return %arg0, %c0_i32 : i32, i32
  }
  func.func @transform_9(%arg0: i32) -> (i32, i32) {
    %c0_i32 = arith.constant 0 : i32
    %c0_i32_0 = arith.constant 0 : i32
    return %arg0, %c0_i32 : i32, i32
  }
}

module attributes {stable_mosaic.version = 14 : i64} {
  func.func @_nms_body(%arg0: memref<48x128xf32, #tpu.memory_space<vmem>>, %arg1: memref<48x128xf32, #tpu.memory_space<vmem>>, %arg2: memref<48x128xf32, #tpu.memory_space<vmem>>, %arg3: memref<48x128xf32, #tpu.memory_space<vmem>>, %arg4: memref<48x128xf32, #tpu.memory_space<vmem>>, %arg5: memref<48x128xf32, #tpu.memory_space<vmem>>, %arg6: memref<48x128xf32, #tpu.memory_space<vmem>>) attributes {dimension_semantics = [], scalar_prefetch = 0 : i64, scratch_operands = 2 : i64, tpu.core_type = #tpu.core_type<tc>} {
    %get3A = arith.constant 0 : index
    %get3A_0 = arith.constant 0 : index
    %get3A_1 = vector.load %arg2[%get3A, %get3A_0] : memref<48x128xf32, #tpu.memory_space<vmem>>, vector<48x128xf32>
    %get3A_2 = arith.constant 0 : index
    %get3A_3 = arith.constant 0 : index
    %get3A_4 = vector.load %arg0[%get3A_2, %get3A_3] : memref<48x128xf32, #tpu.memory_space<vmem>>, vector<48x128xf32>
    %sub3A = arith.subf %get3A_1, %get3A_4 : vector<48x128xf32>
    %add3A = arith.constant 1.000000e+00 : f32
    %add3A_5 = vector.broadcast %add3A : f32 to vector<48x128xf32>
    %add3A_6 = arith.addf %sub3A, %add3A_5 : vector<48x128xf32>
    %get3A_7 = arith.constant 0 : index
    %get3A_8 = arith.constant 0 : index
    %get3A_9 = vector.load %arg3[%get3A_7, %get3A_8] : memref<48x128xf32, #tpu.memory_space<vmem>>, vector<48x128xf32>
    %get3A_10 = arith.constant 0 : index
    %get3A_11 = arith.constant 0 : index
    %get3A_12 = vector.load %arg1[%get3A_10, %get3A_11] : memref<48x128xf32, #tpu.memory_space<vmem>>, vector<48x128xf32>
    %sub3A_13 = arith.subf %get3A_9, %get3A_12 : vector<48x128xf32>
    %add3A_14 = arith.constant 1.000000e+00 : f32
    %add3A_15 = vector.broadcast %add3A_14 : f32 to vector<48x128xf32>
    %add3A_16 = arith.addf %sub3A_13, %add3A_15 : vector<48x128xf32>
    %mul3A = arith.mulf %add3A_6, %add3A_16 : vector<48x128xf32>
    %swap3A = arith.constant 0 : index
    %swap3A_17 = arith.constant 0 : index
    %swap3A_18 = vector.load %arg5[%swap3A, %swap3A_17] : memref<48x128xf32, #tpu.memory_space<vmem>>, vector<48x128xf32>
    tpu.vector_store %arg5[%swap3A, %swap3A_17], %mul3A {strides = array<i32>} : memref<48x128xf32, #tpu.memory_space<vmem>>, vector<48x128xf32>,
    %broadcast_in_dim3A = arith.constant 1.000000e+00 : f32
    %broadcast_in_dim3A_19 = vector.broadcast %broadcast_in_dim3A : f32 to vector<48x128xf32>
    %swap3A_20 = arith.constant 0 : index
    %swap3A_21 = arith.constant 0 : index
    %swap3A_22 = vector.load %arg4[%swap3A_20, %swap3A_21] : memref<48x128xf32, #tpu.memory_space<vmem>>, vector<48x128xf32>
    tpu.vector_store %arg4[%swap3A_20, %swap3A_21], %broadcast_in_dim3A_19 {strides = array<i32>} : memref<48x128xf32, #tpu.memory_space<vmem>>, vector<48x128xf32>,
    %iota3A = tpu.iota {dimensions = array<i32: 1>} : vector<128x128xi32>
    %iota3A_23 = tpu.iota {dimensions = array<i32: 0>} : vector<128x128xi32>
    %while3A = arith.constant 0 : i32
    %while3A_24 = arith.constant 0.000000e+00 : f32
    %while3A_25:2 = scf.while (%while3A_26 = %while3A, %while3A_27 = %while3A_24) : (i32, f32) -> (i32, f32) {
      %lt3A = arith.constant 48 : i32
      %lt3A_28 = arith.cmpi slt, %while3A_26, %lt3A : i32
      %lt3A_29 = arith.constant 3.000000e+02 : f32
      %lt3A_30 = arith.cmpf olt, %while3A_27, %lt3A_29 : f32
      %and3A = arith.andi %lt3A_28, %lt3A_30 : i1
      scf.condition(%and3A) %while3A_26, %while3A_27 : i32, f32
    } do {
    ^bb0(%while3A_26: i32, %while3A_27: f32):
      %get3A_28 = arith.index_cast %while3A_26 : i32 to index
      %get3A_29 = arith.constant 0 : index
      %get3A_30 = vector.load %arg0[%get3A_28, %get3A_29] : memref<48x128xf32, #tpu.memory_space<vmem>>, vector<1x128xf32>
      %broadcast_in_dim3A_31 = vector.shape_cast %get3A_30 : vector<1x128xf32> to vector<1x128xf32>
      %broadcast_in_dim3A_32 = vector.broadcast %broadcast_in_dim3A_31 : vector<1x128xf32> to vector<128x128xf32>
      %transpose3A = tpu.transpose %broadcast_in_dim3A_32, [1, 0] : vector<128x128xf32> -> vector<128x128xf32>
      %get3A_33 = arith.index_cast %while3A_26 : i32 to index
      %get3A_34 = arith.constant 0 : index
      %get3A_35 = vector.load %arg1[%get3A_33, %get3A_34] : memref<48x128xf32, #tpu.memory_space<vmem>>, vector<1x128xf32>
      %broadcast_in_dim3A_36 = vector.shape_cast %get3A_35 : vector<1x128xf32> to vector<1x128xf32>
      %broadcast_in_dim3A_37 = vector.broadcast %broadcast_in_dim3A_36 : vector<1x128xf32> to vector<128x128xf32>
      %transpose3A_38 = tpu.transpose %broadcast_in_dim3A_37, [1, 0] : vector<128x128xf32> -> vector<128x128xf32>
      %get3A_39 = arith.index_cast %while3A_26 : i32 to index
      %get3A_40 = arith.constant 0 : index
      %get3A_41 = vector.load %arg2[%get3A_39, %get3A_40] : memref<48x128xf32, #tpu.memory_space<vmem>>, vector<1x128xf32>
      %broadcast_in_dim3A_42 = vector.shape_cast %get3A_41 : vector<1x128xf32> to vector<1x128xf32>
      %broadcast_in_dim3A_43 = vector.broadcast %broadcast_in_dim3A_42 : vector<1x128xf32> to vector<128x128xf32>
      %transpose3A_44 = tpu.transpose %broadcast_in_dim3A_43, [1, 0] : vector<128x128xf32> -> vector<128x128xf32>
      %get3A_45 = arith.index_cast %while3A_26 : i32 to index
      %get3A_46 = arith.constant 0 : index
      %get3A_47 = vector.load %arg3[%get3A_45, %get3A_46] : memref<48x128xf32, #tpu.memory_space<vmem>>, vector<1x128xf32>
      %broadcast_in_dim3A_48 = vector.shape_cast %get3A_47 : vector<1x128xf32> to vector<1x128xf32>
      %broadcast_in_dim3A_49 = vector.broadcast %broadcast_in_dim3A_48 : vector<1x128xf32> to vector<128x128xf32>
      %transpose3A_50 = tpu.transpose %broadcast_in_dim3A_49, [1, 0] : vector<128x128xf32> -> vector<128x128xf32>
      %get3A_51 = arith.index_cast %while3A_26 : i32 to index
      %get3A_52 = arith.constant 0 : index
      %get3A_53 = vector.load %arg5[%get3A_51, %get3A_52] : memref<48x128xf32, #tpu.memory_space<vmem>>, vector<1x128xf32>
      %broadcast_in_dim3A_54 = vector.shape_cast %get3A_53 : vector<1x128xf32> to vector<1x128xf32>
      %broadcast_in_dim3A_55 = vector.broadcast %broadcast_in_dim3A_54 : vector<1x128xf32> to vector<128x128xf32>
      %transpose3A_56 = tpu.transpose %broadcast_in_dim3A_55, [1, 0] : vector<128x128xf32> -> vector<128x128xf32>
      %broadcast_in_dim3A_57 = arith.constant 0.000000e+00 : f32
      %broadcast_in_dim3A_58 = vector.broadcast %broadcast_in_dim3A_57 : f32 to vector<128x1xf32>
      %while3A_59 = arith.constant 0 : i32
      %while3A_60 = arith.subi %while3A_26, %while3A_59 : i32
      %while3A_61 = arith.addi %while3A_59, %while3A_60 : i32
      %while3A_62 = arith.constant 1 : i32
      %while3A_63 = arith.divsi %while3A_60, %while3A_62 : i32
      %while3A_64 = arith.muli %while3A_63, %while3A_62 : i32
      %while3A_65 = arith.addi %while3A_59, %while3A_64 : i32
      %while3A_66 = arith.constant 1 : i32
      %while3A_67 = scf.for %while3A_160 = %while3A_59 to %while3A_65 step %while3A_66 iter_args(%while3A_161 = %broadcast_in_dim3A_58) -> (vector<128x1xf32>)  : i32 {
        %get3A_162 = arith.index_cast %while3A_160 : i32 to index
        %get3A_163 = arith.constant 0 : index
        %get3A_164 = vector.load %arg0[%get3A_162, %get3A_163] : memref<48x128xf32, #tpu.memory_space<vmem>>, vector<1x128xf32>
        %get3A_165 = arith.index_cast %while3A_160 : i32 to index
        %get3A_166 = arith.constant 0 : index
        %get3A_167 = vector.load %arg1[%get3A_165, %get3A_166] : memref<48x128xf32, #tpu.memory_space<vmem>>, vector<1x128xf32>
        %get3A_168 = arith.index_cast %while3A_160 : i32 to index
        %get3A_169 = arith.constant 0 : index
        %get3A_170 = vector.load %arg2[%get3A_168, %get3A_169] : memref<48x128xf32, #tpu.memory_space<vmem>>, vector<1x128xf32>
        %get3A_171 = arith.index_cast %while3A_160 : i32 to index
        %get3A_172 = arith.constant 0 : index
        %get3A_173 = vector.load %arg3[%get3A_171, %get3A_172] : memref<48x128xf32, #tpu.memory_space<vmem>>, vector<1x128xf32>
        %get3A_174 = arith.index_cast %while3A_160 : i32 to index
        %get3A_175 = arith.constant 0 : index
        %get3A_176 = vector.load %arg5[%get3A_174, %get3A_175] : memref<48x128xf32, #tpu.memory_space<vmem>>, vector<1x128xf32>
        %get3A_177 = arith.index_cast %while3A_160 : i32 to index
        %get3A_178 = arith.constant 0 : index
        %get3A_179 = vector.load %arg6[%get3A_177, %get3A_178] : memref<48x128xf32, #tpu.memory_space<vmem>>, vector<1x128xf32>
        %min3A_180 = vector.broadcast %get3A_170 : vector<1x128xf32> to vector<128x128xf32>
        %min3A_181 = arith.minimumf %transpose3A_44, %min3A_180 : vector<128x128xf32>
        %max3A_182 = vector.broadcast %get3A_164 : vector<1x128xf32> to vector<128x128xf32>
        %max3A_183 = arith.maximumf %transpose3A, %max3A_182 : vector<128x128xf32>
        %sub3A_184 = arith.subf %min3A_181, %max3A_183 : vector<128x128xf32>
        %add3A_185 = arith.constant 1.000000e+00 : f32
        %add3A_186 = vector.broadcast %add3A_185 : f32 to vector<128x128xf32>
        %add3A_187 = arith.addf %sub3A_184, %add3A_186 : vector<128x128xf32>
        %max3A_188 = arith.constant 0.000000e+00 : f32
        %max3A_189 = vector.broadcast %max3A_188 : f32 to vector<128x128xf32>
        %max3A_190 = arith.maximumf %max3A_189, %add3A_187 : vector<128x128xf32>
        %min3A_191 = vector.broadcast %get3A_173 : vector<1x128xf32> to vector<128x128xf32>
        %min3A_192 = arith.minimumf %transpose3A_50, %min3A_191 : vector<128x128xf32>
        %max3A_193 = vector.broadcast %get3A_167 : vector<1x128xf32> to vector<128x128xf32>
        %max3A_194 = arith.maximumf %transpose3A_38, %max3A_193 : vector<128x128xf32>
        %sub3A_195 = arith.subf %min3A_192, %max3A_194 : vector<128x128xf32>
        %add3A_196 = arith.constant 1.000000e+00 : f32
        %add3A_197 = vector.broadcast %add3A_196 : f32 to vector<128x128xf32>
        %add3A_198 = arith.addf %sub3A_195, %add3A_197 : vector<128x128xf32>
        %max3A_199 = arith.constant 0.000000e+00 : f32
        %max3A_200 = vector.broadcast %max3A_199 : f32 to vector<128x128xf32>
        %max3A_201 = arith.maximumf %max3A_200, %add3A_198 : vector<128x128xf32>
        %mul3A_202 = arith.mulf %max3A_190, %max3A_201 : vector<128x128xf32>
        %add3A_203 = vector.broadcast %get3A_176 : vector<1x128xf32> to vector<128x128xf32>
        %add3A_204 = arith.addf %transpose3A_56, %add3A_203 : vector<128x128xf32>
        %sub3A_205 = arith.subf %add3A_204, %mul3A_202 : vector<128x128xf32>
        %div3A_206 = arith.divf %mul3A_202, %sub3A_205 : vector<128x128xf32>
        %gt3A_207 = arith.constant 0.699999988 : f32
        %gt3A_208 = vector.broadcast %gt3A_207 : f32 to vector<128x128xf32>
        %gt3A_209 = arith.cmpf ogt, %div3A_206, %gt3A_208 : vector<128x128xf32>
        %jit3A_210 = arith.constant 1.000000e+00 : f32
        %jit3A_211 = arith.constant 0.000000e+00 : f32
        %broadcast_in_dim3A_212 = vector.broadcast %jit3A_210 : f32 to vector<128x128xf32>
        %broadcast_in_dim3A_213 = vector.broadcast %jit3A_211 : f32 to vector<128x128xf32>
        %select_n3A_214 = arith.select %gt3A_209, %broadcast_in_dim3A_212, %broadcast_in_dim3A_213 : vector<128x128xi1>, vector<128x128xf32>
        %mul3A_215 = vector.broadcast %get3A_179 : vector<1x128xf32> to vector<128x128xf32>
        %mul3A_216 = arith.mulf %select_n3A_214, %mul3A_215 : vector<128x128xf32>
        %reduce_max3A = arith.constant dense<0xFF800000> : vector<128xf32>
        %reduce_max3A_217 = vector.multi_reduction <maximumf>, %mul3A_216, %reduce_max3A [1] : vector<128x128xf32> to vector<128xf32>
        %broadcast_in_dim3A_218 = vector.shape_cast %reduce_max3A_217 : vector<128xf32> to vector<128x1xf32>
        %max3A_219 = arith.maximumf %while3A_161, %broadcast_in_dim3A_218 : vector<128x1xf32>
        scf.yield %max3A_219 : vector<128x1xf32>
      }
      %while3A_68 = arith.constant 1 : i32
      %while3A_69 = scf.for %while3A_160 = %while3A_65 to %while3A_61 step %while3A_68 iter_args(%while3A_161 = %while3A_67) -> (vector<128x1xf32>)  : i32 {
        %get3A_162 = arith.index_cast %while3A_160 : i32 to index
        %get3A_163 = arith.constant 0 : index
        %get3A_164 = vector.load %arg0[%get3A_162, %get3A_163] : memref<48x128xf32, #tpu.memory_space<vmem>>, vector<1x128xf32>
        %get3A_165 = arith.index_cast %while3A_160 : i32 to index
        %get3A_166 = arith.constant 0 : index
        %get3A_167 = vector.load %arg1[%get3A_165, %get3A_166] : memref<48x128xf32, #tpu.memory_space<vmem>>, vector<1x128xf32>
        %get3A_168 = arith.index_cast %while3A_160 : i32 to index
        %get3A_169 = arith.constant 0 : index
        %get3A_170 = vector.load %arg2[%get3A_168, %get3A_169] : memref<48x128xf32, #tpu.memory_space<vmem>>, vector<1x128xf32>
        %get3A_171 = arith.index_cast %while3A_160 : i32 to index
        %get3A_172 = arith.constant 0 : index
        %get3A_173 = vector.load %arg3[%get3A_171, %get3A_172] : memref<48x128xf32, #tpu.memory_space<vmem>>, vector<1x128xf32>
        %get3A_174 = arith.index_cast %while3A_160 : i32 to index
        %get3A_175 = arith.constant 0 : index
        %get3A_176 = vector.load %arg5[%get3A_174, %get3A_175] : memref<48x128xf32, #tpu.memory_space<vmem>>, vector<1x128xf32>
        %get3A_177 = arith.index_cast %while3A_160 : i32 to index
        %get3A_178 = arith.constant 0 : index
        %get3A_179 = vector.load %arg6[%get3A_177, %get3A_178] : memref<48x128xf32, #tpu.memory_space<vmem>>, vector<1x128xf32>
        %min3A_180 = vector.broadcast %get3A_170 : vector<1x128xf32> to vector<128x128xf32>
        %min3A_181 = arith.minimumf %transpose3A_44, %min3A_180 : vector<128x128xf32>
        %max3A_182 = vector.broadcast %get3A_164 : vector<1x128xf32> to vector<128x128xf32>
        %max3A_183 = arith.maximumf %transpose3A, %max3A_182 : vector<128x128xf32>
        %sub3A_184 = arith.subf %min3A_181, %max3A_183 : vector<128x128xf32>
        %add3A_185 = arith.constant 1.000000e+00 : f32
        %add3A_186 = vector.broadcast %add3A_185 : f32 to vector<128x128xf32>
        %add3A_187 = arith.addf %sub3A_184, %add3A_186 : vector<128x128xf32>
        %max3A_188 = arith.constant 0.000000e+00 : f32
        %max3A_189 = vector.broadcast %max3A_188 : f32 to vector<128x128xf32>
        %max3A_190 = arith.maximumf %max3A_189, %add3A_187 : vector<128x128xf32>
        %min3A_191 = vector.broadcast %get3A_173 : vector<1x128xf32> to vector<128x128xf32>
        %min3A_192 = arith.minimumf %transpose3A_50, %min3A_191 : vector<128x128xf32>
        %max3A_193 = vector.broadcast %get3A_167 : vector<1x128xf32> to vector<128x128xf32>
        %max3A_194 = arith.maximumf %transpose3A_38, %max3A_193 : vector<128x128xf32>
        %sub3A_195 = arith.subf %min3A_192, %max3A_194 : vector<128x128xf32>
        %add3A_196 = arith.constant 1.000000e+00 : f32
        %add3A_197 = vector.broadcast %add3A_196 : f32 to vector<128x128xf32>
        %add3A_198 = arith.addf %sub3A_195, %add3A_197 : vector<128x128xf32>
        %max3A_199 = arith.constant 0.000000e+00 : f32
        %max3A_200 = vector.broadcast %max3A_199 : f32 to vector<128x128xf32>
        %max3A_201 = arith.maximumf %max3A_200, %add3A_198 : vector<128x128xf32>
        %mul3A_202 = arith.mulf %max3A_190, %max3A_201 : vector<128x128xf32>
        %add3A_203 = vector.broadcast %get3A_176 : vector<1x128xf32> to vector<128x128xf32>
        %add3A_204 = arith.addf %transpose3A_56, %add3A_203 : vector<128x128xf32>
        %sub3A_205 = arith.subf %add3A_204, %mul3A_202 : vector<128x128xf32>
        %div3A_206 = arith.divf %mul3A_202, %sub3A_205 : vector<128x128xf32>
        %gt3A_207 = arith.constant 0.699999988 : f32
        %gt3A_208 = vector.broadcast %gt3A_207 : f32 to vector<128x128xf32>
        %gt3A_209 = arith.cmpf ogt, %div3A_206, %gt3A_208 : vector<128x128xf32>
        %jit3A_210 = arith.constant 1.000000e+00 : f32
        %jit3A_211 = arith.constant 0.000000e+00 : f32
        %broadcast_in_dim3A_212 = vector.broadcast %jit3A_210 : f32 to vector<128x128xf32>
        %broadcast_in_dim3A_213 = vector.broadcast %jit3A_211 : f32 to vector<128x128xf32>
        %select_n3A_214 = arith.select %gt3A_209, %broadcast_in_dim3A_212, %broadcast_in_dim3A_213 : vector<128x128xi1>, vector<128x128xf32>
        %mul3A_215 = vector.broadcast %get3A_179 : vector<1x128xf32> to vector<128x128xf32>
        %mul3A_216 = arith.mulf %select_n3A_214, %mul3A_215 : vector<128x128xf32>
        %reduce_max3A = arith.constant dense<0xFF800000> : vector<128xf32>
        %reduce_max3A_217 = vector.multi_reduction <maximumf>, %mul3A_216, %reduce_max3A [1] : vector<128x128xf32> to vector<128xf32>
        %broadcast_in_dim3A_218 = vector.shape_cast %reduce_max3A_217 : vector<128xf32> to vector<128x1xf32>
        %max3A_219 = arith.maximumf %while3A_161, %broadcast_in_dim3A_218 : vector<128x1xf32>
        scf.yield %max3A_219 : vector<128x1xf32>
      }
      %get3A_70 = arith.index_cast %while3A_26 : i32 to index
      %get3A_71 = arith.constant 0 : index
      %get3A_72 = vector.load %arg0[%get3A_70, %get3A_71] : memref<48x128xf32, #tpu.memory_space<vmem>>, vector<1x128xf32>
      %get3A_73 = arith.index_cast %while3A_26 : i32 to index
      %get3A_74 = arith.constant 0 : index
      %get3A_75 = vector.load %arg1[%get3A_73, %get3A_74] : memref<48x128xf32, #tpu.memory_space<vmem>>, vector<1x128xf32>
      %get3A_76 = arith.index_cast %while3A_26 : i32 to index
      %get3A_77 = arith.constant 0 : index
      %get3A_78 = vector.load %arg2[%get3A_76, %get3A_77] : memref<48x128xf32, #tpu.memory_space<vmem>>, vector<1x128xf32>
      %get3A_79 = arith.index_cast %while3A_26 : i32 to index
      %get3A_80 = arith.constant 0 : index
      %get3A_81 = vector.load %arg3[%get3A_79, %get3A_80] : memref<48x128xf32, #tpu.memory_space<vmem>>, vector<1x128xf32>
      %get3A_82 = arith.index_cast %while3A_26 : i32 to index
      %get3A_83 = arith.constant 0 : index
      %get3A_84 = vector.load %arg5[%get3A_82, %get3A_83] : memref<48x128xf32, #tpu.memory_space<vmem>>, vector<1x128xf32>
      %min3A = vector.broadcast %get3A_78 : vector<1x128xf32> to vector<128x128xf32>
      %min3A_85 = arith.minimumf %transpose3A_44, %min3A : vector<128x128xf32>
      %max3A = vector.broadcast %get3A_72 : vector<1x128xf32> to vector<128x128xf32>
      %max3A_86 = arith.maximumf %transpose3A, %max3A : vector<128x128xf32>
      %sub3A_87 = arith.subf %min3A_85, %max3A_86 : vector<128x128xf32>
      %add3A_88 = arith.constant 1.000000e+00 : f32
      %add3A_89 = vector.broadcast %add3A_88 : f32 to vector<128x128xf32>
      %add3A_90 = arith.addf %sub3A_87, %add3A_89 : vector<128x128xf32>
      %max3A_91 = arith.constant 0.000000e+00 : f32
      %max3A_92 = vector.broadcast %max3A_91 : f32 to vector<128x128xf32>
      %max3A_93 = arith.maximumf %max3A_92, %add3A_90 : vector<128x128xf32>
      %min3A_94 = vector.broadcast %get3A_81 : vector<1x128xf32> to vector<128x128xf32>
      %min3A_95 = arith.minimumf %transpose3A_50, %min3A_94 : vector<128x128xf32>
      %max3A_96 = vector.broadcast %get3A_75 : vector<1x128xf32> to vector<128x128xf32>
      %max3A_97 = arith.maximumf %transpose3A_38, %max3A_96 : vector<128x128xf32>
      %sub3A_98 = arith.subf %min3A_95, %max3A_97 : vector<128x128xf32>
      %add3A_99 = arith.constant 1.000000e+00 : f32
      %add3A_100 = vector.broadcast %add3A_99 : f32 to vector<128x128xf32>
      %add3A_101 = arith.addf %sub3A_98, %add3A_100 : vector<128x128xf32>
      %max3A_102 = arith.constant 0.000000e+00 : f32
      %max3A_103 = vector.broadcast %max3A_102 : f32 to vector<128x128xf32>
      %max3A_104 = arith.maximumf %max3A_103, %add3A_101 : vector<128x128xf32>
      %mul3A_105 = arith.mulf %max3A_93, %max3A_104 : vector<128x128xf32>
      %add3A_106 = vector.broadcast %get3A_84 : vector<1x128xf32> to vector<128x128xf32>
      %add3A_107 = arith.addf %transpose3A_56, %add3A_106 : vector<128x128xf32>
      %sub3A_108 = arith.subf %add3A_107, %mul3A_105 : vector<128x128xf32>
      %div3A = arith.divf %mul3A_105, %sub3A_108 : vector<128x128xf32>
      %gt3A = arith.constant 0.699999988 : f32
      %gt3A_109 = vector.broadcast %gt3A : f32 to vector<128x128xf32>
      %gt3A_110 = arith.cmpf ogt, %div3A, %gt3A_109 : vector<128x128xf32>
      %gt3A_111 = arith.cmpi sgt, %iota3A_23, %iota3A : vector<128x128xi32>
      %and3A = arith.andi %gt3A_110, %gt3A_111 : vector<128x128xi1>
      %jit3A = arith.constant 1.000000e+00 : f32
      %jit3A_112 = arith.constant 0.000000e+00 : f32
      %broadcast_in_dim3A_113 = vector.broadcast %jit3A : f32 to vector<128x128xf32>
      %broadcast_in_dim3A_114 = vector.broadcast %jit3A_112 : f32 to vector<128x128xf32>
      %select_n3A = arith.select %and3A, %broadcast_in_dim3A_113, %broadcast_in_dim3A_114 : vector<128x128xi1>, vector<128x128xf32>
      %while3A_115 = arith.constant 0 : i32
      %while3A_116 = arith.constant 1.000000e+00 : f32
      %while3A_117:3 = scf.while (%while3A_160 = %while3A_115, %while3A_161 = %while3A_116, %while3A_162 = %while3A_69) : (i32, f32, vector<128x1xf32>) -> (i32, f32, vector<128x1xf32>) {
        %gt3A_163 = arith.constant 5.000000e-01 : f32
        %gt3A_164 = arith.cmpf ogt, %while3A_161, %gt3A_163 : f32
        %lt3A = arith.constant 130 : i32
        %lt3A_165 = arith.cmpi slt, %while3A_160, %lt3A : i32
        %and3A_166 = arith.andi %gt3A_164, %lt3A_165 : i1
        scf.condition(%and3A_166) %while3A_160, %while3A_161, %while3A_162 : i32, f32, vector<128x1xf32>
      } do {
      ^bb0(%while3A_160: i32, %while3A_161: f32, %while3A_162: vector<128x1xf32>):
        %broadcast_in_dim3A_163 = vector.shape_cast %while3A_162 : vector<128x1xf32> to vector<128x1xf32>
        %broadcast_in_dim3A_164 = vector.broadcast %broadcast_in_dim3A_163 : vector<128x1xf32> to vector<128x128xf32>
        %transpose3A_165 = tpu.transpose %broadcast_in_dim3A_164, [1, 0] : vector<128x128xf32> -> vector<128x128xf32>
        %sub3A_166 = arith.constant 1.000000e+00 : f32
        %sub3A_167 = vector.broadcast %sub3A_166 : f32 to vector<128x128xf32>
        %sub3A_168 = arith.subf %sub3A_167, %transpose3A_165 : vector<128x128xf32>
        %mul3A_169 = arith.mulf %select_n3A, %sub3A_168 : vector<128x128xf32>
        %reduce_max3A = arith.constant dense<0xFF800000> : vector<128xf32>
        %reduce_max3A_170 = vector.multi_reduction <maximumf>, %mul3A_169, %reduce_max3A [1] : vector<128x128xf32> to vector<128xf32>
        %broadcast_in_dim3A_171 = vector.shape_cast %reduce_max3A_170 : vector<128xf32> to vector<128x1xf32>
        %max3A_172 = arith.maximumf %while3A_69, %broadcast_in_dim3A_171 : vector<128x1xf32>
        %sub3A_173 = arith.subf %max3A_172, %while3A_162 : vector<128x1xf32>
        %abs3A = math.absf %sub3A_173 : vector<128x1xf32>
        %reduce_sum3A_174 = vector.shape_cast %abs3A : vector<128x1xf32> to vector<1x128x1xf32>
        %reduce_sum3A_175 = arith.constant dense<0.000000e+00> : vector<1xf32>
        %reduce_sum3A_176 = vector.multi_reduction <add>, %reduce_sum3A_174, %reduce_sum3A_175 [1, 2] : vector<1x128x1xf32> to vector<1xf32>
        %reduce_sum3A_177 = vector.shape_cast %reduce_sum3A_176 : vector<1xf32> to vector<1x1x1xf32>
        %reduce_sum3A_178 = vector.extract %reduce_sum3A_177[0, 0, 0] : f32 from vector<1x1x1xf32>
        %add3A_179 = arith.constant 1 : i32
        %add3A_180 = arith.addi %while3A_160, %add3A_179 : i32
        scf.yield %add3A_180, %reduce_sum3A_178, %max3A_172 : i32, f32, vector<128x1xf32>
      }
      %broadcast_in_dim3A_118 = vector.shape_cast %while3A_117#2 : vector<128x1xf32> to vector<128x1xf32>
      %broadcast_in_dim3A_119 = vector.broadcast %broadcast_in_dim3A_118 : vector<128x1xf32> to vector<128x128xf32>
      %transpose3A_120 = tpu.transpose %broadcast_in_dim3A_119, [1, 0] : vector<128x128xf32> -> vector<128x128xf32>
      %slice3A = vector.extract_strided_slice %transpose3A_120 {offsets = [0, 0], sizes = [1, 128], strides = [1, 1]} : vector<128x128xf32> to vector<1x128xf32>
      %swap3A_121 = arith.index_cast %while3A_26 : i32 to index
      %swap3A_122 = arith.constant 0 : index
      %swap3A_123 = vector.load %arg4[%swap3A_121, %swap3A_122] : memref<48x128xf32, #tpu.memory_space<vmem>>, vector<1x128xf32>
      tpu.vector_store %arg4[%swap3A_121, %swap3A_122], %slice3A {strides = array<i32>} : memref<48x128xf32, #tpu.memory_space<vmem>>, vector<1x128xf32>,
      %sub3A_124 = arith.constant 1.000000e+00 : f32
      %sub3A_125 = vector.broadcast %sub3A_124 : f32 to vector<1x128xf32>
      %sub3A_126 = arith.subf %sub3A_125, %slice3A : vector<1x128xf32>
      %swap3A_127 = arith.index_cast %while3A_26 : i32 to index
      %swap3A_128 = arith.constant 0 : index
      %swap3A_129 = vector.load %arg6[%swap3A_127, %swap3A_128] : memref<48x128xf32, #tpu.memory_space<vmem>>, vector<1x128xf32>
      tpu.vector_store %arg6[%swap3A_127, %swap3A_128], %sub3A_126 {strides = array<i32>} : memref<48x128xf32, #tpu.memory_space<vmem>>, vector<1x128xf32>,
      %sub3A_130 = arith.subf %get3A_78, %get3A_72 : vector<1x128xf32>
      %add3A_131 = arith.constant 1.000000e+00 : f32
      %add3A_132 = vector.broadcast %add3A_131 : f32 to vector<1x128xf32>
      %add3A_133 = arith.addf %sub3A_130, %add3A_132 : vector<1x128xf32>
      %sub3A_134 = arith.subf %get3A_81, %get3A_75 : vector<1x128xf32>
      %add3A_135 = arith.constant 1.000000e+00 : f32
      %add3A_136 = vector.broadcast %add3A_135 : f32 to vector<1x128xf32>
      %add3A_137 = arith.addf %sub3A_134, %add3A_136 : vector<1x128xf32>
      %ge3A = arith.constant 1.600000e+01 : f32
      %ge3A_138 = vector.broadcast %ge3A : f32 to vector<1x128xf32>
      %ge3A_139 = arith.cmpf oge, %add3A_133, %ge3A_138 : vector<1x128xf32>
      %ge3A_140 = arith.constant 1.600000e+01 : f32
      %ge3A_141 = vector.broadcast %ge3A_140 : f32 to vector<1x128xf32>
      %ge3A_142 = arith.cmpf oge, %add3A_137, %ge3A_141 : vector<1x128xf32>
      %and3A_143 = arith.andi %ge3A_139, %ge3A_142 : vector<1x128xi1>
      %jit3A_144 = arith.constant 1.000000e+00 : f32
      %jit3A_145 = arith.constant 0.000000e+00 : f32
      %broadcast_in_dim3A_146 = vector.broadcast %jit3A_144 : f32 to vector<1x128xf32>
      %broadcast_in_dim3A_147 = vector.broadcast %jit3A_145 : f32 to vector<1x128xf32>
      %select_n3A_148 = arith.select %and3A_143, %broadcast_in_dim3A_146, %broadcast_in_dim3A_147 : vector<1x128xi1>, vector<1x128xf32>
      %sub3A_149 = arith.constant 1.000000e+00 : f32
      %sub3A_150 = vector.broadcast %sub3A_149 : f32 to vector<1x128xf32>
      %sub3A_151 = arith.subf %sub3A_150, %slice3A : vector<1x128xf32>
      %mul3A_152 = arith.mulf %sub3A_151, %select_n3A_148 : vector<1x128xf32>
      %reduce_sum3A = vector.shape_cast %mul3A_152 : vector<1x128xf32> to vector<1x1x128xf32>
      %reduce_sum3A_153 = arith.constant dense<0.000000e+00> : vector<1xf32>
      %reduce_sum3A_154 = vector.multi_reduction <add>, %reduce_sum3A, %reduce_sum3A_153 [1, 2] : vector<1x1x128xf32> to vector<1xf32>
      %reduce_sum3A_155 = vector.shape_cast %reduce_sum3A_154 : vector<1xf32> to vector<1x1x1xf32>
      %reduce_sum3A_156 = vector.extract %reduce_sum3A_155[0, 0, 0] : f32 from vector<1x1x1xf32>
      %add3A_157 = arith.addf %while3A_27, %reduce_sum3A_156 : f32
      %add3A_158 = arith.constant 1 : i32
      %add3A_159 = arith.addi %while3A_26, %add3A_158 : i32
      scf.yield %add3A_159, %add3A_157 : i32, f32
    }
    return
  }
}

</mosaic_0001>

<sc_bundles>
// kernel: gather_offload_async_start.1
scs
__scs_entry_jumppad:
0x0: {  	(pc) =	sbr.rel $0x88, $3  }
0x1: {  	(tag) =	ssettag $0x0;
	lr =	simm.s32 $0x1  }
0x2: {  	[smem:$0x3F9A] =	sst lr;
	_ =	strace $0xD0000000  }
0x3: {  	_ = 	snop  }
0x4: {  	_ = 	snop  }
0x5: {  	_ = 	snop  }
0x6: {  	_ = 	snop  }
0x7: {  	_ = 	snop  }
__scs_overlays_trampoline_lowered:
0x8: {  	[smem:$0x3FA9] =	sst s0  }
0x9: {  	[smem:$0x3FAA] =	sst s1  }
0xa: {  	[smem:$0x3FAB] =	sst s2  }
0xb: {  	[smem:$0x3FAC] =	sst s3  }
0xc: {  	[smem:$0x3FAD] =	sst s4  }
0xd: {  	[smem:$0x3FAE] =	sst s5  }
0xe: {  	[smem:$0x3FAF] =	sst s6  }
0xf: {  	[smem:$0x3FB0] =	sst s7  }
0x10: {  	[smem:$0x3FB1] =	sst s8  }
0x11: {  	[smem:$0x3FB2] =	sst s9;
	s0 =	simm.s32 @!p0 $0x0  }
0x12: {  	s1 =	sld [smem:$0x3F98];
	s0 =	simm.s32 @p0 $0x1  }
0x13: {  	[smem:$0x3FB3] =	sst s0;
	s0 =	simm.s32 @!p1 $0x0  }
0x14: {  	s2 =	sld [smem:$0x3F97];
	s0 =	simm.s32 @p1 $0x1  }
0x15: {  	[smem:$0x3FB4] =	sst s0;
	s0 =	simm.s32 @!p2 $0x0  }
0x16: {  	s3 =	sld [smem:$0x3FDB];
	s0 =	simm.s32 @p2 $0x1  }
0x17: {  	s4 =	simm.s32 $0x1BF5;
	[smem:$0x3FB6] =	sst s0  }
0x18: {  	s0 =	sld [smem:$0x3F99];
	_ =	swait.ge [sflag:s4], $0x0  }
0x19: {  	s7 =	sld [smem:$0x3F9A]  }
0x1a: {  	s8 =	sadd.s32 $0xFFFFE003, lr  }
0x1b: {  	s9 =	sadd.s32 $0xFFFFFEF7, lr;
	s5 =	simm.s32 $0xFFFFFFFF;
	p2 =	slt.u32 s8, $0xFFFFF086  }
0x1c: {  	p1 =	slt.u32 s9, $0xF7A;
	s5 =	simm.s32 @!p2 $0x0  }
0x1d: {  	s5 =	simm.s32 @p1 $0x1;
	p0 =	seq.s32 s7, s2  }
0x1e: {  	s7 =	smul.u32 @!p0 $0xF7A, s2;
	p2 =	seq.s32 @!p0 s5, $0x0  }
0x1f: {  	s9 =	smul.u32 $0xF7A, s1;
	s8 =	simm.s32 @!p0 $0x1BF5;
	p2 =	por !p2, p0  }
0x20: {  	[sflag:s8] =	ssyncset.s32 @!p0 $0xFFFFF086;
	s6 =	sadd.s32 @!p0 s3, s7;
	s7 =	simm.s32 @!p0 $0x108  }
0x21: {  	s3 =	sadd.s32 s3, s9;
	s6 =	sadd.s32 @!p0 $0x88, s6;
	s7 =	simm.s32 @p2 $0x1082  }
0x22: {  	[simem:s7], [sflag:s8] =	dma.local @!p0 [hbm:s6], $0xF7A  }
0x23: {  	s9 =	sor.u32 $0xD0000000, s2;
	s6 =	simm.s32 $0x108;
	_ =	swait.ge @!p0 [sflag:s8], $0x0  }
0x24: {  	s3 =	sadd.s32 $0x88, s3;
	s6 =	simm.s32 @!p1 $0x1082;
	[sflag:s4] =	ssyncset.s32 $0xFFFFF086  }
0x25: {  	[simem:s6], [sflag:s4] =	dma.local [hbm:s3], $0xF7A  }
0x26: {  	[smem:$0x3F9A] =	sst s1;
	(tag) =	ssettag s2;
	_ =	strace s9  }
0x27: {  	s1 =	sld [smem:$0x3FAA]  }
0x28: {  	s2 =	sld [smem:$0x3FAB]  }
0x29: {  	s4 =	sld [smem:$0x3FAD]  }
0x2a: {  	p0 =	seq.s32 s5, $0x0;
	s5 =	sld [smem:$0x3FAE]  }
0x2b: {  	s6 =	sld [smem:$0x3FAF]  }
0x2c: {  	s7 =	sld [smem:$0x3FB0]  }
0x2d: {  	s3 =	simm.s32 $0x108;
	s8 =	sld [smem:$0x3FB1]  }
0x2e: {  	s3 =	simm.s32 @!p0 $0x1082;
	s9 =	sld [smem:$0x3FB2]  }
0x2f: {  	lr =	sadd.s32 s0, s3;
	s0 =	sld [smem:$0x3FA9]  }
0x30: {  	s3 =	sld [smem:$0x3FAC]  }
0x31: {  	[smem:$0x3FB5] =	sst s10  }
0x32: {  	s10 =	sld [smem:$0x3FB3];
	_ =	sdelay $0x3  }
0x33: {  	p0 =	seq.s32 s10, $0x1;
	s10 =	sld [smem:$0x3FB5];
	_ =	sdelay $0x3  }
0x34: {  	[smem:$0x3FB5] =	sst s10  }
0x35: {  	s10 =	sld [smem:$0x3FB4];
	_ =	sdelay $0x3  }
0x36: {  	p1 =	seq.s32 s10, $0x1;
	s10 =	sld [smem:$0x3FB5];
	_ =	sdelay $0x3  }
0x37: {  	[smem:$0x3FB5] =	sst s10  }
0x38: {  	s10 =	sld [smem:$0x3FB6]  }
0x39: {  	_ = 	snop;
	(pc) =	sbr.ind lr, $3  }
0x3a: {  	_ = 	snop  }
0x3b: {  	_ = 	snop  }
0x3c: {  	p2 =	seq.s32 s10, $0x1;
	s10 =	sld [smem:$0x3FB5]  }
0x3d: {  	_ =	shalt  }
0x3e: {  	_ =	shalt  }
0x3f: {  	_ =	shalt  }
0x40: {  	_ =	shalt  }
0x41: {  	_ =	shalt  }
0x42: {  	_ =	shalt  }
0x43: {  	_ =	shalt  }
0x44: {  	_ =	shalt  }
0x45: {  	_ =	shalt  }
0x46: {  	_ =	shalt  }
0x47: {  	_ =	shalt  }
0x48: {  	_ =	shalt  }
0x49: {  	_ =	shalt  }
0x4a: {  	_ =	shalt  }
0x4b: {  	_ =	shalt  }
0x4c: {  	_ =	shalt  }
0x4d: {  	_ =	shalt  }
0x4e: {  	_ =	shalt  }
0x4f: {  	_ =	shalt  }
0x50: {  	_ =	shalt  }
0x51: {  	_ =	shalt  }
0x52: {  	_ =	shalt  }
0x53: {  	_ =	shalt  }
0x54: {  	_ =	shalt  }
0x55: {  	_ =	shalt  }
0x56: {  	_ =	shalt  }
0x57: {  	_ =	shalt  }
0x58: {  	_ =	shalt  }
0x59: {  	_ =	shalt  }
0x5a: {  	_ =	shalt  }
0x5b: {  	_ =	shalt  }
0x5c: {  	_ =	shalt  }
0x5d: {  	_ =	shalt  }
0x5e: {  	_ =	shalt  }
0x5f: {  	_ =	shalt  }
0x60: {  	_ =	shalt  }
0x61: {  	_ =	shalt  }
0x62: {  	_ =	shalt  }
0x63: {  	_ =	shalt  }
0x64: {  	_ =	shalt  }
0x65: {  	_ =	shalt  }
0x66: {  	_ =	shalt  }
0x67: {  	_ =	shalt  }
0x68: {  	_ =	shalt  }
0x69: {  	_ =	shalt  }
0x6a: {  	_ =	shalt  }
0x6b: {  	_ =	shalt  }
0x6c: {  	_ =	shalt  }
0x6d: {  	_ =	shalt  }
0x6e: {  	_ =	shalt  }
0x6f: {  	_ =	shalt  }
0x70: {  	_ =	shalt  }
0x71: {  	_ =	shalt  }
0x72: {  	_ =	shalt  }
0x73: {  	_ =	shalt  }
0x74: {  	_ =	shalt  }
0x75: {  	_ =	shalt  }
0x76: {  	_ =	shalt  }
0x77: {  	_ =	shalt  }
0x78: {  	_ =	shalt  }
0x79: {  	_ =	shalt  }
0x7a: {  	_ =	shalt  }
0x7b: {  	_ =	shalt  }
0x7c: {  	_ =	shalt  }
0x7d: {  	_ =	shalt  }
0x7e: {  	_ =	shalt  }
0x7f: {  	_ =	shalt  }
0x80: {  	_ =	shalt  }
0x81: {  	_ =	shalt  }
0x82: {  	_ =	shalt  }
0x83: {  	_ =	shalt  }
0x84: {  	_ =	shalt  }
0x85: {  	_ =	shalt  }
0x86: {  	_ =	shalt  }
0x87: {  	_ =	shalt  }
.Lfunc_end0:
.L_simem_size_0:
called_computation.1_lowered:
.L_overlay_start_0:
0x88: {  	s0 =	sld [smem:$0x3FD9]  }
0x89: {  	s1 =	sld [smem:$0x3FFE];
	_ =	sdelay $0x3  }
0x8a: {  	s0 =	sadd.s32 s1, s0  }
0x8b: {  	[smem:$0x3FC1] =	sst s0  }
0x8c: {  	_ = 	snop  }
0x8d: {  	(tm) =	ssettm $0x1  }
0x8e: {  	s15 =	sld [smem:$0x3FFB];
	_ =	sdelay $0x3  }
0x8f: {  	_ =	strace s15  }
0x90: {  	s0 =	sld [smem:$0x3FFC];
	_ =	sdelay $0x3  }
0x91: {  	_ =	strace s0  }
0x92: {  	s0 =	sld [smem:$0x3FFD];
	_ =	sdelay $0x3  }
0x93: {  	_ =	strace s0  }
0x94: {  	_ =	strace $0x8FFFFFFF  }
0x95: {  	s16 =	sld [smem:$0x3FDB];
	_ =	sdelay $0x1  }
0x96: {  	s17 =	simm.s32 $_scs_section_size  }
0x97: {  	s2 =	simm.s32 $_size__tile_overlayer_lowered;
	s3 =	simm.s32 $_tile_overlayer_lowered  }
0x98: {  	s20 =	simm.s32 $0x1BFF;
	s19 =	sshll.u32 s3, $0x1;
	s0 =	sadd.s32 s17, s16  }
0x99: {  	s4 =	simm.s32 $0x0;
	s18 =	sshll.u32 s2, $0x1;
	s2 =	sadd.s32 s19, s0  }
0x9a: {  	[timem:s4], [sflag:s20] =	dma.local [hbm:s2], s18  }
0x9b: {  	_ =	swait.ge [sflag:s20], s18  }
0x9c: {  	s1 =	ssub.s32 $0x0, s18;
	[sflag:s20] =	ssyncset.done $0x0  }
0x9d: {  	[sflag:s20] =	ssyncadd.s32 s1;
	_ =	sdelay $0x1  }
0x9e: {  	s21 =	simm.s32 $0x1B8B  }
0x9f: {  	_ =	swait.ge [sflag:s21], $0x1  }
0xa0: {  	[sflag:s21] =	ssyncset.done $0x0  }
0xa1: {  	s23 =	simm.s32 $0x1B8E;
	s22 =	sld [smem:$0x3FFE];
	[sflag:s21] =	ssyncadd.s32 $0xFFFFFFFF  }
0xa2: {  	s24 =	simm.s32 $execute0_lowered;
	[smem:$0x3FD2] =	sst s23  }
0xa3: {  	s2 =	sshll.u32 s24, $0x1;
	_ =	strace $0x8000004C;
	[dreg:$0x1] =	wrdreg $0xFFFFFFFF  }
0xa4: {  	s25 =	simm.s32 $_size_execute0_lowered;
	s0 =	sadd.s32 s0, s2;
	[dreg:$0x0] =	wrdreg $0x0  }
0xa5: {  	s2 =	sshll.u32 s25, $0x1;
	[dreg:$0x2] =	wrdreg s0  }
0xa6: {  	[dreg:$0x3] =	wrdreg s2  }
0xa7: {  	[dreg:$0x4] =	wrdreg $0xC0  }
0xa8: {  	_ =	task [dreg:s4], $0x5FFFF  }
0xa9: {  	[dreg:$0x1] =	wrdreg $0xFFFFFFFF  }
0xaa: {  	[dreg:$0x0] =	wrdreg $0x60  }
0xab: {  	[dreg:$0x2] =	wrdreg s22  }
0xac: {  	[dreg:$0x3] =	wrdreg $0x9  }
0xad: {  	_ =	task.clear_ibuf [dreg:s4], $0x4FFFF;
	_ =	strace $0x9000004C  }
0xae: {  	s26 =	simm.s32 $0x9;
	_ =	strace $0x8000004E  }
0xaf: {  	_ =	swait.ge [sflag:s26], $0x1  }
0xb0: {  	[sflag:s26] =	ssyncadd.s32 $0xFFFFFFFF  }
0xb1: {  	_ =	strace $0x9000004E  }
0xb2: {  	_ =	sfence  }
0xb3: {  	s28 =	sld [smem:$0x0];
	_ =	sdelay $0x1  }
0xb4: {  	s29 =	srdreg.scid  }
0xb5: {  	s30 =	sshll.u32 s29, $0xD;
	s31 =	sshrl.u32 s29, $0x2  }
0xb6: {  	s1 =	sand.u32 $0x1, s29;
	s2 =	sand.u32 $0x4000, s30;
	s0 =	sadd.s32 s31, s28  }
0xb7: {  	s1 =	sor.u32 s2, s1;
	s0 =	sshll.u32 s0, $0x11  }
0xb8: {  	s0 =	sor.u32 s0, s1  }
0xb9: {  	s0 =	sadd.s32 $0x8F2B, s0  }
0xba: {  	[sflag:s0] =	ssyncadd.remote.s32 $0x1  }
0xbb: {  	_ =	sfence.sel $0xFFFF  }
0xbc: {  	[dreg:$0x0] =	wrdreg $0xFFFFFFFF;
	(pc) =	sbr.abs _section_cstart, $3  }
0xbd: {  	[dreg:$0x1] =	wrdreg $0xFFFFFFFF  }
0xbe: {  	_ =	task.clear_ibuf [dreg:s4], $0x2FFFF;
	_ =	strace $0x9FFFFFFF  }
0xbf: {  	(tm) =	ssettm $0x7FFFFFFF  }
tec
execute0_lowered:
.L_overlay_start_1:
0x0: {  	(tag) =	ssettag $0x1  }
0x1: {  	s2 =	rddreg [dreg:$0x0]  }
0x2: {  	s0 =	rddreg [dreg:$0x1]  }
0x3: {  	_ =	strace $0x8000004D;
	s4 =	simm.s32 $0x1;
	s1 =	stileid.u32  }
0x4: {  	s7 =	simm.s32 $0x1;
	s8 =	simm.s32 $0x1;
	s6 =	simm.s32 $0x2  }
0x5: {  	s9 =	simm.s32 $0x3;
	s10 =	simm.s32 $0x0;
	s13 =	simm.s32 $0x0  }
.Ltmp0:
0x6: {  	s12 =	simm.s32 $0x0;
	p0 =	slt.u32 s1, $0xA;
	(pc) =	sbr.rel .LBB2_1-.Ltmp0, $4  }
0x7: {  	[sflag:s4] =	ssyncpa.u1 $0x0;
	s7 =	simm.s32 @!p0 $0x0;
	p0 =	sne.s32 s1, $0x9  }
0x8: {  	s5 =	smul.u32 $0xF0, s1;
	[sflag:s6] =	ssyncpa.u1 $0x0;
	s8 =	simm.s32 @!p0 $0x0  }
0x9: {  	s3 =	sadd.s32 $0x4400, s2;
	[sflag:s9] =	ssyncpa.u1 $0x0;
	s7 =	sadd.s32 s8, s7  }
0xa: {  	vm0 =	vmmov $0xffff;
	s11 =	smov.u32 s5;
	s8 =	sadd.s32 $0x8C00, s2;
	s9 =	sadd.s32 $0x1, s7  }
.LBB2_4:
0xb: {  	v2 =	vnsel vm1, $0x0, v2  }
0xc: {  	vm1 =	vgt.s32 v0, $0x0;
	v2 =	vmin.u32 v2, $0xF80F  }
0xd: {  	v0 =	vnsel vm1, $0x0, v0  }
0xe: {  	v0 =	vmin.u32 v0, $0xF80F  }
0xf: {  	[tilespmem:s18], [sflag:$0x1] =	stream.indirect_vreg.gather [hbm4b:s3+s10], $0x1, v1, vm0, $0x4038;
	[tilespmem:$0x3C0] =	vst v63  }
0x10: {  	(ifvalue) =	ssetifvalue $0x7FFFFFFF  }
0x11: {  	[tilespmem:s15], [sflag:$0x1] =	stream.indirect_vreg.gather [hbm4b:s3+s10], $0x1, v2, vm0, $0x4038;
	[tilespmem:$0x3C0] =	vst v63  }
0x12: {  	s29 =	sadd.s32 $0x10, s15;
	(ifvalue) =	ssetifvalue $0x7FFFFFFF  }
0x13: {  	[tilespmem:s29], [sflag:$0x1] =	stream.indirect_vreg.gather [hbm4b:s3+s10], $0x1, v0, vm0, $0x4038;
	[tilespmem:$0x3C0] =	vst v63  }
0x14: {  	_ =	swait.ge [sflag:s4], $0xF0  }
0x15: {  	s30 =	sshrl.u32 s13, $0x3;
	[sflag:s4] =	ssyncset.done $0x0  }
0x16: {  	s31 =	sand.u32 $0x7, s13;
	s15 =	sadd.s32 s8, s30;
	[sflag:s4] =	ssyncadd.s32 $0xFFFFFF10  }
0x17: {  	[hbm4b:s15+s31] =	stream.linear.scatter [tilespmem:s14], [sflag:$0x3], $0xF0, $0x38;
	[tilespmem:$0x3C0] =	vst v63  }
.LBB2_5:
0x18: {  	s15 =	sadd.s32 $0xF00, s11  }
0x19: {  	p1 =	sgt.s32 s15, $0x176F  }
0x1a: {  	s15 =	smov.u32 @p1 s5;
	p1 =	sne.s32 s12, s9  }
.Ltmp1:
0x1b: {  	p0 =	slt.u32 s12, $0x2;
	(pc) =	sbr.rel @!p1 .LBB2_6-.Ltmp1, $4  }
0x1c: {  	s14 =	simm.s32 @!p0 $0x3  }
0x1d: {  	_ =	swait.ge @!p0 [sflag:s14], $0xF0  }
0x1e: {  	s16 =	sadd.s32 $0x1, s12;
	s13 =	smov.u32 s11;
	[sflag:s14] =	ssyncset.done @!p0 $0x0  }
0x1f: {  	s12 =	smov.u32 s16;
	s11 =	smov.u32 s15;
	[sflag:s14] =	ssyncadd.s32 @!p0 $0xFFFFFF10  }
.LBB2_1:
0x20: {  	p0 =	sge.u32 s12, s7  }
0x21: {  	s14 =	sxor.u32 @!p0 $0x1, s12  }
0x22: {  	s14 =	smul.u32 @!p0 $0x3C0, s14  }
0x23: {  	s31 =	sadd.s32 $0xFFFFFFFF, s12;
	s15 =	sshrl.u32 @!p0 s11, $0x3  }
0x24: {  	s16 =	sand.u32 @!p0 $0x7, s11;
	s15 =	sadd.s32 @!p0 s2, s15;
	s14 =	sshra.s32 @!p0 s14, $0x2  }
0x25: {  	[tilespmem:s14], [sflag:$0x2] =	stream.linear.gather @!p0 [hbm4b:s15+s16], $0xF0, $0x38;
	[tilespmem:$0x3C0] =	vst v63  }
0x26: {  	p0 =	sge.u32 s31, s7  }
.Ltmp2:
0x27: {  	_ = 	snop;
	(pc) =	sbr.rel @p0 .LBB2_5-.Ltmp2, $1  }
0x28: {  	_ =	sdelay $0x3  }
0x29: {  	s14 =	sand.u32 $0x1, s12  }
0x2a: {  	_ =	swait.ge [sflag:s6], $0xF0;
	p0 =	seq.s32 s14, $0x1;
	s14 =	simm.s32 $0xF0  }
0x2b: {  	[sflag:s6] =	ssyncset.done $0x0;
	s14 =	simm.s32 @!p0 $0x0  }
0x2c: {  	[sflag:s6] =	ssyncadd.s32 $0xFFFFFF10;
	(ifvalue) =	ssetifvalue $0x7FFFFFFF;
	v0 =	vld.msk [tilespmem:s14+$0x0 ss:$0x1], $0xffff;
	_ =	sdelay $0x4  }
0x2d: {  	s15 =	sadd.s32 $0x10, s14;
	vm1 =	vgt.s32 v0, $0x0  }
0x2e: {  	v2 =	vld.msk [tilespmem:s15+$0x0 ss:$0x1], $0xffff;
	v1 =	vnsel vm1, $0x0, v0  }
0x2f: {  	v1 =	vmin.u32 v1, $0xF80F;
	_ =	sdelay $0x2  }
0x30: {  	s17 =	simm.s32 $0x20;
	s14 =	sadd.s32 $0x1E0, s14;
	s16 =	sadd.s32 $0x10, s15  }
0x31: {  	s15 =	sadd.s32 $0x10, s14;
	s18 =	smov.u32 s14;
	v0 =	vld.msk [tilespmem:s16+$0x0 ss:$0x1], $0xffff;
	vm1 =	vgt.s32 v2, $0x0;
	(ifvalue) =	ssetifvalue $0x7FFFFFFF  }
.LBB2_3:
0x32: {  	[tilespmem:s18], [sflag:$0x1] =	stream.indirect_vreg.gather [hbm4b:s3+s10], $0x1, v1, vm0, $0x4038;
	[tilespmem:$0x3C0] =	vst v63  }
0x33: {  	s17 =	sadd.s32 $0x10, s17  }
0x34: {  	v2 =	vnsel vm1, $0x0, v2;
	p0 =	slt.u32 s17, $0xE0  }
.Ltmp3:
0x35: {  	s18 =	smov.u32 s15;
	v1 =	vmin.u32 v2, $0xF80F;
	(pc) =	sbr.rel @p0 .LBB2_3-.Ltmp3, $3  }
0x36: {  	_ =	sdelay $0x1  }
0x37: {  	s16 =	sadd.s32 $0x10, s16  }
0x38: {  	vm1 =	vgt.s32 v0, $0x0;
	s15 =	sadd.s32 $0x10, s15;
	v2 =	vmov v0;
	(ifvalue) =	ssetifvalue $0x7FFFFFFF;
	v0 =	vld.msk [tilespmem:s16+$0x0 ss:$0x1], $0xffff  }
.Ltmp4:
0x39: {  	_ = 	snop;
	(pc) =	sbr.rel .LBB2_4-.Ltmp4, $1  }
0x3a: {  	_ =	sdelay $0x3  }
.LBB2_6:
0x3b: {  	_ =	sfence.sel $0x180000  }
0x3c: {  	s2 =	simm.s32 $0x2;
	[bflag:$0x0] =	sbarrier.arrive $0xFFFF  }
0x3d: {  	s30 =	simm.s32 $0x3;
	[sflag:s2] =	ssyncpa.u1 $0x1  }
0x3e: {  	s31 =	simm.s32 $0x1;
	[sflag:s30] =	ssyncpa.u1 $0x1  }
0x3f: {  	[sflag:s31] =	ssyncpa.u1 $0x1  }
0x40: {  	p0 =	sne.s32 s1, $0x0;
	_ =	strace $0x9000004D  }
0x41: {  	s0 =	sadd.s32 @!p0 $0x100000, s0;
	[bflag:$0x2] =	sbarrier.arrive $0xFFFF  }
0x42: {  	[sflag:s0] =	ssyncadd.tile.s32 @!p0 $0x1;
	_ =	shalt  }
.Lfunc_end2:
_tile_overlayer_lowered:
.L_overlay_start_2:
0x43: {  	(tag) =	ssettag $0x2  }
0x44: {  	s0 =	rddreg [dreg:$0x0];
	s2 =	stileid.u32  }
0x45: {  	s1 =	rddreg [dreg:$0x1];
	p0 =	sne.s32 s2, $0x0  }
0x46: {  	s3 =	rddreg [dreg:$0x2];
	[bflag:$0x3] =	sbarrier.arrive $0xFFFF;
	s2 =	simm.s32 @!p0 $0x1C01  }
0x47: {  	[timem:s3], [sflag:s2] =	dma.local @!p0 [hbm:s0], s1  }
0x48: {  	s0 =	simm.s32 @!p0 $0x1  }
0x49: {  	_ =	swait.ge @!p0 [sflag:s0], s1  }
0x4a: {  	s1 =	ssub.s32 @!p0 $0x0, s1;
	[sflag:s0] =	ssyncset.done @!p0 $0x0  }
0x4b: {  	[sflag:s0] =	ssyncadd.s32 @!p0 s1  }
0x4c: {  	[bflag:$0x3] =	sbarrier.arrive $0xFFFF  }
0x4d: {  	_ =	shalt  }

// kernel: gather_offload_async_start.2
scs
__scs_entry_jumppad:
0x0: {  	(pc) =	sbr.rel $0x88, $3  }
0x1: {  	(tag) =	ssettag $0x0;
	lr =	simm.s32 $0x1  }
0x2: {  	[smem:$0x3F9A] =	sst lr;
	_ =	strace $0xD0000000  }
0x3: {  	_ = 	snop  }
0x4: {  	_ = 	snop  }
0x5: {  	_ = 	snop  }
0x6: {  	_ = 	snop  }
0x7: {  	_ = 	snop  }
__scs_overlays_trampoline_lowered:
0x8: {  	[smem:$0x3FA9] =	sst s0  }
0x9: {  	[smem:$0x3FAA] =	sst s1  }
0xa: {  	[smem:$0x3FAB] =	sst s2  }
0xb: {  	[smem:$0x3FAC] =	sst s3  }
0xc: {  	[smem:$0x3FAD] =	sst s4  }
0xd: {  	[smem:$0x3FAE] =	sst s5  }
0xe: {  	[smem:$0x3FAF] =	sst s6  }
0xf: {  	[smem:$0x3FB0] =	sst s7  }
0x10: {  	[smem:$0x3FB1] =	sst s8  }
0x11: {  	[smem:$0x3FB2] =	sst s9;
	s0 =	simm.s32 @!p0 $0x0  }
0x12: {  	s1 =	sld [smem:$0x3F98];
	s0 =	simm.s32 @p0 $0x1  }
0x13: {  	[smem:$0x3FB3] =	sst s0;
	s0 =	simm.s32 @!p1 $0x0  }
0x14: {  	s2 =	sld [smem:$0x3F97];
	s0 =	simm.s32 @p1 $0x1  }
0x15: {  	[smem:$0x3FB4] =	sst s0;
	s0 =	simm.s32 @!p2 $0x0  }
0x16: {  	s3 =	sld [smem:$0x3FDB];
	s0 =	simm.s32 @p2 $0x1  }
0x17: {  	s4 =	simm.s32 $0x1BF5;
	[smem:$0x3FB6] =	sst s0  }
0x18: {  	s0 =	sld [smem:$0x3F99];
	_ =	swait.ge [sflag:s4], $0x0  }
0x19: {  	s7 =	sld [smem:$0x3F9A]  }
0x1a: {  	s8 =	sadd.s32 $0xFFFFE003, lr  }
0x1b: {  	s9 =	sadd.s32 $0xFFFFFEF7, lr;
	s5 =	simm.s32 $0xFFFFFFFF;
	p2 =	slt.u32 s8, $0xFFFFF086  }
0x1c: {  	p1 =	slt.u32 s9, $0xF7A;
	s5 =	simm.s32 @!p2 $0x0  }
0x1d: {  	s5 =	simm.s32 @p1 $0x1;
	p0 =	seq.s32 s7, s2  }
0x1e: {  	s7 =	smul.u32 @!p0 $0xF7A, s2;
	p2 =	seq.s32 @!p0 s5, $0x0  }
0x1f: {  	s9 =	smul.u32 $0xF7A, s1;
	s8 =	simm.s32 @!p0 $0x1BF5;
	p2 =	por !p2, p0  }
0x20: {  	[sflag:s8] =	ssyncset.s32 @!p0 $0xFFFFF086;
	s6 =	sadd.s32 @!p0 s3, s7;
	s7 =	simm.s32 @!p0 $0x108  }
0x21: {  	s3 =	sadd.s32 s3, s9;
	s6 =	sadd.s32 @!p0 $0x88, s6;
	s7 =	simm.s32 @p2 $0x1082  }
0x22: {  	[simem:s7], [sflag:s8] =	dma.local @!p0 [hbm:s6], $0xF7A  }
0x23: {  	s9 =	sor.u32 $0xD0000000, s2;
	s6 =	simm.s32 $0x108;
	_ =	swait.ge @!p0 [sflag:s8], $0x0  }
0x24: {  	s3 =	sadd.s32 $0x88, s3;
	s6 =	simm.s32 @!p1 $0x1082;
	[sflag:s4] =	ssyncset.s32 $0xFFFFF086  }
0x25: {  	[simem:s6], [sflag:s4] =	dma.local [hbm:s3], $0xF7A  }
0x26: {  	[smem:$0x3F9A] =	sst s1;
	(tag) =	ssettag s2;
	_ =	strace s9  }
0x27: {  	s1 =	sld [smem:$0x3FAA]  }
0x28: {  	s2 =	sld [smem:$0x3FAB]  }
0x29: {  	s4 =	sld [smem:$0x3FAD]  }
0x2a: {  	p0 =	seq.s32 s5, $0x0;
	s5 =	sld [smem:$0x3FAE]  }
0x2b: {  	s6 =	sld [smem:$0x3FAF]  }
0x2c: {  	s7 =	sld [smem:$0x3FB0]  }
0x2d: {  	s3 =	simm.s32 $0x108;
	s8 =	sld [smem:$0x3FB1]  }
0x2e: {  	s3 =	simm.s32 @!p0 $0x1082;
	s9 =	sld [smem:$0x3FB2]  }
0x2f: {  	lr =	sadd.s32 s0, s3;
	s0 =	sld [smem:$0x3FA9]  }
0x30: {  	s3 =	sld [smem:$0x3FAC]  }
0x31: {  	[smem:$0x3FB5] =	sst s10  }
0x32: {  	s10 =	sld [smem:$0x3FB3];
	_ =	sdelay $0x3  }
0x33: {  	p0 =	seq.s32 s10, $0x1;
	s10 =	sld [smem:$0x3FB5];
	_ =	sdelay $0x3  }
0x34: {  	[smem:$0x3FB5] =	sst s10  }
0x35: {  	s10 =	sld [smem:$0x3FB4];
	_ =	sdelay $0x3  }
0x36: {  	p1 =	seq.s32 s10, $0x1;
	s10 =	sld [smem:$0x3FB5];
	_ =	sdelay $0x3  }
0x37: {  	[smem:$0x3FB5] =	sst s10  }
0x38: {  	s10 =	sld [smem:$0x3FB6]  }
0x39: {  	_ = 	snop;
	(pc) =	sbr.ind lr, $3  }
0x3a: {  	_ = 	snop  }
0x3b: {  	_ = 	snop  }
0x3c: {  	p2 =	seq.s32 s10, $0x1;
	s10 =	sld [smem:$0x3FB5]  }
0x3d: {  	_ =	shalt  }
0x3e: {  	_ =	shalt  }
0x3f: {  	_ =	shalt  }
0x40: {  	_ =	shalt  }
0x41: {  	_ =	shalt  }
0x42: {  	_ =	shalt  }
0x43: {  	_ =	shalt  }
0x44: {  	_ =	shalt  }
0x45: {  	_ =	shalt  }
0x46: {  	_ =	shalt  }
0x47: {  	_ =	shalt  }
0x48: {  	_ =	shalt  }
0x49: {  	_ =	shalt  }
0x4a: {  	_ =	shalt  }
0x4b: {  	_ =	shalt  }
0x4c: {  	_ =	shalt  }
0x4d: {  	_ =	shalt  }
0x4e: {  	_ =	shalt  }
0x4f: {  	_ =	shalt  }
0x50: {  	_ =	shalt  }
0x51: {  	_ =	shalt  }
0x52: {  	_ =	shalt  }
0x53: {  	_ =	shalt  }
0x54: {  	_ =	shalt  }
0x55: {  	_ =	shalt  }
0x56: {  	_ =	shalt  }
0x57: {  	_ =	shalt  }
0x58: {  	_ =	shalt  }
0x59: {  	_ =	shalt  }
0x5a: {  	_ =	shalt  }
0x5b: {  	_ =	shalt  }
0x5c: {  	_ =	shalt  }
0x5d: {  	_ =	shalt  }
0x5e: {  	_ =	shalt  }
0x5f: {  	_ =	shalt  }
0x60: {  	_ =	shalt  }
0x61: {  	_ =	shalt  }
0x62: {  	_ =	shalt  }
0x63: {  	_ =	shalt  }
0x64: {  	_ =	shalt  }
0x65: {  	_ =	shalt  }
0x66: {  	_ =	shalt  }
0x67: {  	_ =	shalt  }
0x68: {  	_ =	shalt  }
0x69: {  	_ =	shalt  }
0x6a: {  	_ =	shalt  }
0x6b: {  	_ =	shalt  }
0x6c: {  	_ =	shalt  }
0x6d: {  	_ =	shalt  }
0x6e: {  	_ =	shalt  }
0x6f: {  	_ =	shalt  }
0x70: {  	_ =	shalt  }
0x71: {  	_ =	shalt  }
0x72: {  	_ =	shalt  }
0x73: {  	_ =	shalt  }
0x74: {  	_ =	shalt  }
0x75: {  	_ =	shalt  }
0x76: {  	_ =	shalt  }
0x77: {  	_ =	shalt  }
0x78: {  	_ =	shalt  }
0x79: {  	_ =	shalt  }
0x7a: {  	_ =	shalt  }
0x7b: {  	_ =	shalt  }
0x7c: {  	_ =	shalt  }
0x7d: {  	_ =	shalt  }
0x7e: {  	_ =	shalt  }
0x7f: {  	_ =	shalt  }
0x80: {  	_ =	shalt  }
0x81: {  	_ =	shalt  }
0x82: {  	_ =	shalt  }
0x83: {  	_ =	shalt  }
0x84: {  	_ =	shalt  }
0x85: {  	_ =	shalt  }
0x86: {  	_ =	shalt  }
0x87: {  	_ =	shalt  }
.Lfunc_end0:
.L_simem_size_0:
called_computation.2_lowered:
.L_overlay_start_0:
0x88: {  	s0 =	sld [smem:$0x3FD9]  }
0x89: {  	s1 =	sld [smem:$0x3FFE];
	_ =	sdelay $0x3  }
0x8a: {  	s0 =	sadd.s32 s1, s0  }
0x8b: {  	[smem:$0x3FC1] =	sst s0  }
0x8c: {  	_ = 	snop  }
0x8d: {  	(tm) =	ssettm $0x1  }
0x8e: {  	s15 =	sld [smem:$0x3FFB];
	_ =	sdelay $0x3  }
0x8f: {  	_ =	strace s15  }
0x90: {  	s0 =	sld [smem:$0x3FFC];
	_ =	sdelay $0x3  }
0x91: {  	_ =	strace s0  }
0x92: {  	s0 =	sld [smem:$0x3FFD];
	_ =	sdelay $0x3  }
0x93: {  	_ =	strace s0  }
0x94: {  	_ =	strace $0x8FFFFFFF  }
0x95: {  	s16 =	sld [smem:$0x3FDB];
	_ =	sdelay $0x1  }
0x96: {  	s17 =	simm.s32 $_scs_section_size  }
0x97: {  	s2 =	simm.s32 $_size__tile_overlayer_lowered;
	s3 =	simm.s32 $_tile_overlayer_lowered  }
0x98: {  	s20 =	simm.s32 $0x1BFF;
	s19 =	sshll.u32 s3, $0x1;
	s0 =	sadd.s32 s17, s16  }
0x99: {  	s4 =	simm.s32 $0x0;
	s18 =	sshll.u32 s2, $0x1;
	s2 =	sadd.s32 s19, s0  }
0x9a: {  	[timem:s4], [sflag:s20] =	dma.local [hbm:s2], s18  }
0x9b: {  	_ =	swait.ge [sflag:s20], s18  }
0x9c: {  	s1 =	ssub.s32 $0x0, s18;
	[sflag:s20] =	ssyncset.done $0x0  }
0x9d: {  	[sflag:s20] =	ssyncadd.s32 s1;
	_ =	sdelay $0x1  }
0x9e: {  	s21 =	simm.s32 $0x1B8B  }
0x9f: {  	_ =	swait.ge [sflag:s21], $0x1  }
0xa0: {  	[sflag:s21] =	ssyncset.done $0x0  }
0xa1: {  	s23 =	simm.s32 $0x1B8E;
	s22 =	sld [smem:$0x3FFE];
	[sflag:s21] =	ssyncadd.s32 $0xFFFFFFFF  }
0xa2: {  	s24 =	simm.s32 $execute0_lowered;
	[smem:$0x3FD2] =	sst s23  }
0xa3: {  	s2 =	sshll.u32 s24, $0x1;
	_ =	strace $0x80000046;
	[dreg:$0x1] =	wrdreg $0xFFFFFFFF  }
0xa4: {  	s25 =	simm.s32 $_size_execute0_lowered;
	s0 =	sadd.s32 s0, s2;
	[dreg:$0x0] =	wrdreg $0x0  }
0xa5: {  	s2 =	sshll.u32 s25, $0x1;
	[dreg:$0x2] =	wrdreg s0  }
0xa6: {  	[dreg:$0x3] =	wrdreg s2  }
0xa7: {  	[dreg:$0x4] =	wrdreg $0xC0  }
0xa8: {  	_ =	task [dreg:s4], $0x5FFFF  }
0xa9: {  	[dreg:$0x1] =	wrdreg $0xFFFFFFFF  }
0xaa: {  	[dreg:$0x0] =	wrdreg $0x60  }
0xab: {  	[dreg:$0x2] =	wrdreg s22  }
0xac: {  	[dreg:$0x3] =	wrdreg $0xA  }
0xad: {  	_ =	task.clear_ibuf [dreg:s4], $0x4FFFF;
	_ =	strace $0x90000046  }
0xae: {  	s26 =	simm.s32 $0xA;
	_ =	strace $0x80000048  }
0xaf: {  	_ =	swait.ge [sflag:s26], $0x1  }
0xb0: {  	[sflag:s26] =	ssyncadd.s32 $0xFFFFFFFF  }
0xb1: {  	_ =	strace $0x90000048  }
0xb2: {  	_ =	sfence  }
0xb3: {  	s28 =	sld [smem:$0x0];
	_ =	sdelay $0x1  }
0xb4: {  	s29 =	srdreg.scid  }
0xb5: {  	s30 =	sshll.u32 s29, $0xD;
	s31 =	sshrl.u32 s29, $0x2  }
0xb6: {  	s1 =	sand.u32 $0x1, s29;
	s2 =	sand.u32 $0x4000, s30;
	s0 =	sadd.s32 s31, s28  }
0xb7: {  	s1 =	sor.u32 s2, s1;
	s0 =	sshll.u32 s0, $0x11  }
0xb8: {  	s0 =	sor.u32 s0, s1  }
0xb9: {  	s0 =	sadd.s32 $0x8F2B, s0  }
0xba: {  	[sflag:s0] =	ssyncadd.remote.s32 $0x1  }
0xbb: {  	_ =	sfence.sel $0xFFFF  }
0xbc: {  	[dreg:$0x0] =	wrdreg $0xFFFFFFFF;
	(pc) =	sbr.abs _section_cstart, $3  }
0xbd: {  	[dreg:$0x1] =	wrdreg $0xFFFFFFFF  }
0xbe: {  	_ =	task.clear_ibuf [dreg:s4], $0x2FFFF;
	_ =	strace $0x9FFFFFFF  }
0xbf: {  	(tm) =	ssettm $0x7FFFFFFF  }
tec
execute0_lowered:
.L_overlay_start_1:
0x0: {  	(tag) =	ssettag $0x1  }
0x1: {  	s2 =	rddreg [dreg:$0x0]  }
0x2: {  	s0 =	rddreg [dreg:$0x1]  }
0x3: {  	_ =	strace $0x80000047;
	s4 =	simm.s32 $0x1;
	s1 =	stileid.u32  }
0x4: {  	s7 =	simm.s32 $0x1;
	s8 =	simm.s32 $0x1;
	s6 =	simm.s32 $0x2  }
0x5: {  	s9 =	simm.s32 $0x3;
	s10 =	simm.s32 $0x0;
	s13 =	simm.s32 $0x0  }
.Ltmp0:
0x6: {  	s12 =	simm.s32 $0x0;
	p0 =	slt.u32 s1, $0xA;
	(pc) =	sbr.rel .LBB2_1-.Ltmp0, $4  }
0x7: {  	[sflag:s4] =	ssyncpa.u1 $0x0;
	s7 =	simm.s32 @!p0 $0x0;
	p0 =	sne.s32 s1, $0x9  }
0x8: {  	s5 =	smul.u32 $0xF0, s1;
	[sflag:s6] =	ssyncpa.u1 $0x0;
	s8 =	simm.s32 @!p0 $0x0  }
0x9: {  	s3 =	sadd.s32 $0x400, s2;
	[sflag:s9] =	ssyncpa.u1 $0x0;
	s7 =	sadd.s32 s8, s7  }
0xa: {  	vm0 =	vmmov $0xffff;
	s11 =	smov.u32 s5;
	s8 =	sadd.s32 $0x6400, s2;
	s9 =	sadd.s32 $0x1, s7  }
.LBB2_4:
0xb: {  	v2 =	vnsel vm1, $0x0, v2  }
0xc: {  	vm1 =	vgt.s32 v0, $0x0;
	v2 =	vmin.u32 v2, $0xF80F  }
0xd: {  	v0 =	vnsel vm1, $0x0, v0  }
0xe: {  	v0 =	vmin.u32 v0, $0xF80F  }
0xf: {  	[tilespmem:s18], [sflag:$0x1] =	stream.indirect_vreg.gather [hbm4b:s3+s10], $0x1, v1, vm0, $0x4038;
	[tilespmem:$0x3C0] =	vst v63  }
0x10: {  	(ifvalue) =	ssetifvalue $0x7FFFFFFF  }
0x11: {  	[tilespmem:s15], [sflag:$0x1] =	stream.indirect_vreg.gather [hbm4b:s3+s10], $0x1, v2, vm0, $0x4038;
	[tilespmem:$0x3C0] =	vst v63  }
0x12: {  	s29 =	sadd.s32 $0x10, s15;
	(ifvalue) =	ssetifvalue $0x7FFFFFFF  }
0x13: {  	[tilespmem:s29], [sflag:$0x1] =	stream.indirect_vreg.gather [hbm4b:s3+s10], $0x1, v0, vm0, $0x4038;
	[tilespmem:$0x3C0] =	vst v63  }
0x14: {  	_ =	swait.ge [sflag:s4], $0xF0  }
0x15: {  	s30 =	sshrl.u32 s13, $0x3;
	[sflag:s4] =	ssyncset.done $0x0  }
0x16: {  	s31 =	sand.u32 $0x7, s13;
	s15 =	sadd.s32 s8, s30;
	[sflag:s4] =	ssyncadd.s32 $0xFFFFFF10  }
0x17: {  	[hbm4b:s15+s31] =	stream.linear.scatter [tilespmem:s14], [sflag:$0x3], $0xF0, $0x38;
	[tilespmem:$0x3C0] =	vst v63  }
.LBB2_5:
0x18: {  	s15 =	sadd.s32 $0xF00, s11  }
0x19: {  	p1 =	sgt.s32 s15, $0x176F  }
0x1a: {  	s15 =	smov.u32 @p1 s5;
	p1 =	sne.s32 s12, s9  }
.Ltmp1:
0x1b: {  	p0 =	slt.u32 s12, $0x2;
	(pc) =	sbr.rel @!p1 .LBB2_6-.Ltmp1, $4  }
0x1c: {  	s14 =	simm.s32 @!p0 $0x3  }
0x1d: {  	_ =	swait.ge @!p0 [sflag:s14], $0xF0  }
0x1e: {  	s16 =	sadd.s32 $0x1, s12;
	s13 =	smov.u32 s11;
	[sflag:s14] =	ssyncset.done @!p0 $0x0  }
0x1f: {  	s12 =	smov.u32 s16;
	s11 =	smov.u32 s15;
	[sflag:s14] =	ssyncadd.s32 @!p0 $0xFFFFFF10  }
.LBB2_1:
0x20: {  	p0 =	sge.u32 s12, s7  }
0x21: {  	s14 =	sxor.u32 @!p0 $0x1, s12  }
0x22: {  	s14 =	smul.u32 @!p0 $0x3C0, s14  }
0x23: {  	s31 =	sadd.s32 $0xFFFFFFFF, s12;
	s15 =	sshrl.u32 @!p0 s11, $0x3  }
0x24: {  	s16 =	sand.u32 @!p0 $0x7, s11;
	s15 =	sadd.s32 @!p0 s2, s15;
	s14 =	sshra.s32 @!p0 s14, $0x2  }
0x25: {  	[tilespmem:s14], [sflag:$0x2] =	stream.linear.gather @!p0 [hbm4b:s15+s16], $0xF0, $0x38;
	[tilespmem:$0x3C0] =	vst v63  }
0x26: {  	p0 =	sge.u32 s31, s7  }
.Ltmp2:
0x27: {  	_ = 	snop;
	(pc) =	sbr.rel @p0 .LBB2_5-.Ltmp2, $1  }
0x28: {  	_ =	sdelay $0x3  }
0x29: {  	s14 =	sand.u32 $0x1, s12  }
0x2a: {  	_ =	swait.ge [sflag:s6], $0xF0;
	p0 =	seq.s32 s14, $0x1;
	s14 =	simm.s32 $0xF0  }
0x2b: {  	[sflag:s6] =	ssyncset.done $0x0;
	s14 =	simm.s32 @!p0 $0x0  }
0x2c: {  	[sflag:s6] =	ssyncadd.s32 $0xFFFFFF10;
	(ifvalue) =	ssetifvalue $0x7FFFFFFF;
	v0 =	vld.msk [tilespmem:s14+$0x0 ss:$0x1], $0xffff;
	_ =	sdelay $0x4  }
0x2d: {  	s15 =	sadd.s32 $0x10, s14;
	vm1 =	vgt.s32 v0, $0x0  }
0x2e: {  	v2 =	vld.msk [tilespmem:s15+$0x0 ss:$0x1], $0xffff;
	v1 =	vnsel vm1, $0x0, v0  }
0x2f: {  	v1 =	vmin.u32 v1, $0xF80F;
	_ =	sdelay $0x2  }
0x30: {  	s17 =	simm.s32 $0x20;
	s14 =	sadd.s32 $0x1E0, s14;
	s16 =	sadd.s32 $0x10, s15  }
0x31: {  	s15 =	sadd.s32 $0x10, s14;
	s18 =	smov.u32 s14;
	v0 =	vld.msk [tilespmem:s16+$0x0 ss:$0x1], $0xffff;
	vm1 =	vgt.s32 v2, $0x0;
	(ifvalue) =	ssetifvalue $0x7FFFFFFF  }
.LBB2_3:
0x32: {  	[tilespmem:s18], [sflag:$0x1] =	stream.indirect_vreg.gather [hbm4b:s3+s10], $0x1, v1, vm0, $0x4038;
	[tilespmem:$0x3C0] =	vst v63  }
0x33: {  	s17 =	sadd.s32 $0x10, s17  }
0x34: {  	v2 =	vnsel vm1, $0x0, v2;
	p0 =	slt.u32 s17, $0xE0  }
.Ltmp3:
0x35: {  	s18 =	smov.u32 s15;
	v1 =	vmin.u32 v2, $0xF80F;
	(pc) =	sbr.rel @p0 .LBB2_3-.Ltmp3, $3  }
0x36: {  	_ =	sdelay $0x1  }
0x37: {  	s16 =	sadd.s32 $0x10, s16  }
0x38: {  	vm1 =	vgt.s32 v0, $0x0;
	s15 =	sadd.s32 $0x10, s15;
	v2 =	vmov v0;
	(ifvalue) =	ssetifvalue $0x7FFFFFFF;
	v0 =	vld.msk [tilespmem:s16+$0x0 ss:$0x1], $0xffff  }
.Ltmp4:
0x39: {  	_ = 	snop;
	(pc) =	sbr.rel .LBB2_4-.Ltmp4, $1  }
0x3a: {  	_ =	sdelay $0x3  }
.LBB2_6:
0x3b: {  	_ =	sfence.sel $0x180000  }
0x3c: {  	s2 =	simm.s32 $0x2;
	[bflag:$0x0] =	sbarrier.arrive $0xFFFF  }
0x3d: {  	s30 =	simm.s32 $0x3;
	[sflag:s2] =	ssyncpa.u1 $0x1  }
0x3e: {  	s31 =	simm.s32 $0x1;
	[sflag:s30] =	ssyncpa.u1 $0x1  }
0x3f: {  	[sflag:s31] =	ssyncpa.u1 $0x1  }
0x40: {  	p0 =	sne.s32 s1, $0x0;
	_ =	strace $0x90000047  }
0x41: {  	s0 =	sadd.s32 @!p0 $0x100000, s0;
	[bflag:$0x2] =	sbarrier.arrive $0xFFFF  }
0x42: {  	[sflag:s0] =	ssyncadd.tile.s32 @!p0 $0x1;
	_ =	shalt  }
.Lfunc_end2:
_tile_overlayer_lowered:
.L_overlay_start_2:
0x43: {  	(tag) =	ssettag $0x2  }
0x44: {  	s0 =	rddreg [dreg:$0x0];
	s2 =	stileid.u32  }
0x45: {  	s1 =	rddreg [dreg:$0x1];
	p0 =	sne.s32 s2, $0x0  }
0x46: {  	s3 =	rddreg [dreg:$0x2];
	[bflag:$0x3] =	sbarrier.arrive $0xFFFF;
	s2 =	simm.s32 @!p0 $0x1C01  }
0x47: {  	[timem:s3], [sflag:s2] =	dma.local @!p0 [hbm:s0], s1  }
0x48: {  	s0 =	simm.s32 @!p0 $0x1  }
0x49: {  	_ =	swait.ge @!p0 [sflag:s0], s1  }
0x4a: {  	s1 =	ssub.s32 @!p0 $0x0, s1;
	[sflag:s0] =	ssyncset.done @!p0 $0x0  }
0x4b: {  	[sflag:s0] =	ssyncadd.s32 @!p0 s1  }
0x4c: {  	[bflag:$0x3] =	sbarrier.arrive $0xFFFF  }
0x4d: {  	_ =	shalt  }

// kernel: gather_offload_async_start.3
scs
__scs_entry_jumppad:
0x0: {  	(pc) =	sbr.rel $0x88, $3  }
0x1: {  	(tag) =	ssettag $0x0;
	lr =	simm.s32 $0x1  }
0x2: {  	[smem:$0x3F9A] =	sst lr;
	_ =	strace $0xD0000000  }
0x3: {  	_ = 	snop  }
0x4: {  	_ = 	snop  }
0x5: {  	_ = 	snop  }
0x6: {  	_ = 	snop  }
0x7: {  	_ = 	snop  }
__scs_overlays_trampoline_lowered:
0x8: {  	[smem:$0x3FA9] =	sst s0  }
0x9: {  	[smem:$0x3FAA] =	sst s1  }
0xa: {  	[smem:$0x3FAB] =	sst s2  }
0xb: {  	[smem:$0x3FAC] =	sst s3  }
0xc: {  	[smem:$0x3FAD] =	sst s4  }
0xd: {  	[smem:$0x3FAE] =	sst s5  }
0xe: {  	[smem:$0x3FAF] =	sst s6  }
0xf: {  	[smem:$0x3FB0] =	sst s7  }
0x10: {  	[smem:$0x3FB1] =	sst s8  }
0x11: {  	[smem:$0x3FB2] =	sst s9;
	s0 =	simm.s32 @!p0 $0x0  }
0x12: {  	s1 =	sld [smem:$0x3F98];
	s0 =	simm.s32 @p0 $0x1  }
0x13: {  	[smem:$0x3FB3] =	sst s0;
	s0 =	simm.s32 @!p1 $0x0  }
0x14: {  	s2 =	sld [smem:$0x3F97];
	s0 =	simm.s32 @p1 $0x1  }
0x15: {  	[smem:$0x3FB4] =	sst s0;
	s0 =	simm.s32 @!p2 $0x0  }
0x16: {  	s3 =	sld [smem:$0x3FDB];
	s0 =	simm.s32 @p2 $0x1  }
0x17: {  	s4 =	simm.s32 $0x1BF5;
	[smem:$0x3FB6] =	sst s0  }
0x18: {  	s0 =	sld [smem:$0x3F99];
	_ =	swait.ge [sflag:s4], $0x0  }
0x19: {  	s7 =	sld [smem:$0x3F9A]  }
0x1a: {  	s8 =	sadd.s32 $0xFFFFE003, lr  }
0x1b: {  	s9 =	sadd.s32 $0xFFFFFEF7, lr;
	s5 =	simm.s32 $0xFFFFFFFF;
	p2 =	slt.u32 s8, $0xFFFFF086  }
0x1c: {  	p1 =	slt.u32 s9, $0xF7A;
	s5 =	simm.s32 @!p2 $0x0  }
0x1d: {  	s5 =	simm.s32 @p1 $0x1;
	p0 =	seq.s32 s7, s2  }
0x1e: {  	s7 =	smul.u32 @!p0 $0xF7A, s2;
	p2 =	seq.s32 @!p0 s5, $0x0  }
0x1f: {  	s9 =	smul.u32 $0xF7A, s1;
	s8 =	simm.s32 @!p0 $0x1BF5;
	p2 =	por !p2, p0  }
0x20: {  	[sflag:s8] =	ssyncset.s32 @!p0 $0xFFFFF086;
	s6 =	sadd.s32 @!p0 s3, s7;
	s7 =	simm.s32 @!p0 $0x108  }
0x21: {  	s3 =	sadd.s32 s3, s9;
	s6 =	sadd.s32 @!p0 $0x88, s6;
	s7 =	simm.s32 @p2 $0x1082  }
0x22: {  	[simem:s7], [sflag:s8] =	dma.local @!p0 [hbm:s6], $0xF7A  }
0x23: {  	s9 =	sor.u32 $0xD0000000, s2;
	s6 =	simm.s32 $0x108;
	_ =	swait.ge @!p0 [sflag:s8], $0x0  }
0x24: {  	s3 =	sadd.s32 $0x88, s3;
	s6 =	simm.s32 @!p1 $0x1082;
	[sflag:s4] =	ssyncset.s32 $0xFFFFF086  }
0x25: {  	[simem:s6], [sflag:s4] =	dma.local [hbm:s3], $0xF7A  }
0x26: {  	[smem:$0x3F9A] =	sst s1;
	(tag) =	ssettag s2;
	_ =	strace s9  }
0x27: {  	s1 =	sld [smem:$0x3FAA]  }
0x28: {  	s2 =	sld [smem:$0x3FAB]  }
0x29: {  	s4 =	sld [smem:$0x3FAD]  }
0x2a: {  	p0 =	seq.s32 s5, $0x0;
	s5 =	sld [smem:$0x3FAE]  }
0x2b: {  	s6 =	sld [smem:$0x3FAF]  }
0x2c: {  	s7 =	sld [smem:$0x3FB0]  }
0x2d: {  	s3 =	simm.s32 $0x108;
	s8 =	sld [smem:$0x3FB1]  }
0x2e: {  	s3 =	simm.s32 @!p0 $0x1082;
	s9 =	sld [smem:$0x3FB2]  }
0x2f: {  	lr =	sadd.s32 s0, s3;
	s0 =	sld [smem:$0x3FA9]  }
0x30: {  	s3 =	sld [smem:$0x3FAC]  }
0x31: {  	[smem:$0x3FB5] =	sst s10  }
0x32: {  	s10 =	sld [smem:$0x3FB3];
	_ =	sdelay $0x3  }
0x33: {  	p0 =	seq.s32 s10, $0x1;
	s10 =	sld [smem:$0x3FB5];
	_ =	sdelay $0x3  }
0x34: {  	[smem:$0x3FB5] =	sst s10  }
0x35: {  	s10 =	sld [smem:$0x3FB4];
	_ =	sdelay $0x3  }
0x36: {  	p1 =	seq.s32 s10, $0x1;
	s10 =	sld [smem:$0x3FB5];
	_ =	sdelay $0x3  }
0x37: {  	[smem:$0x3FB5] =	sst s10  }
0x38: {  	s10 =	sld [smem:$0x3FB6]  }
0x39: {  	_ = 	snop;
	(pc) =	sbr.ind lr, $3  }
0x3a: {  	_ = 	snop  }
0x3b: {  	_ = 	snop  }
0x3c: {  	p2 =	seq.s32 s10, $0x1;
	s10 =	sld [smem:$0x3FB5]  }
0x3d: {  	_ =	shalt  }
0x3e: {  	_ =	shalt  }
0x3f: {  	_ =	shalt  }
0x40: {  	_ =	shalt  }
0x41: {  	_ =	shalt  }
0x42: {  	_ =	shalt  }
0x43: {  	_ =	shalt  }
0x44: {  	_ =	shalt  }
0x45: {  	_ =	shalt  }
0x46: {  	_ =	shalt  }
0x47: {  	_ =	shalt  }
0x48: {  	_ =	shalt  }
0x49: {  	_ =	shalt  }
0x4a: {  	_ =	shalt  }
0x4b: {  	_ =	shalt  }
0x4c: {  	_ =	shalt  }
0x4d: {  	_ =	shalt  }
0x4e: {  	_ =	shalt  }
0x4f: {  	_ =	shalt  }
0x50: {  	_ =	shalt  }
0x51: {  	_ =	shalt  }
0x52: {  	_ =	shalt  }
0x53: {  	_ =	shalt  }
0x54: {  	_ =	shalt  }
0x55: {  	_ =	shalt  }
0x56: {  	_ =	shalt  }
0x57: {  	_ =	shalt  }
0x58: {  	_ =	shalt  }
0x59: {  	_ =	shalt  }
0x5a: {  	_ =	shalt  }
0x5b: {  	_ =	shalt  }
0x5c: {  	_ =	shalt  }
0x5d: {  	_ =	shalt  }
0x5e: {  	_ =	shalt  }
0x5f: {  	_ =	shalt  }
0x60: {  	_ =	shalt  }
0x61: {  	_ =	shalt  }
0x62: {  	_ =	shalt  }
0x63: {  	_ =	shalt  }
0x64: {  	_ =	shalt  }
0x65: {  	_ =	shalt  }
0x66: {  	_ =	shalt  }
0x67: {  	_ =	shalt  }
0x68: {  	_ =	shalt  }
0x69: {  	_ =	shalt  }
0x6a: {  	_ =	shalt  }
0x6b: {  	_ =	shalt  }
0x6c: {  	_ =	shalt  }
0x6d: {  	_ =	shalt  }
0x6e: {  	_ =	shalt  }
0x6f: {  	_ =	shalt  }
0x70: {  	_ =	shalt  }
0x71: {  	_ =	shalt  }
0x72: {  	_ =	shalt  }
0x73: {  	_ =	shalt  }
0x74: {  	_ =	shalt  }
0x75: {  	_ =	shalt  }
0x76: {  	_ =	shalt  }
0x77: {  	_ =	shalt  }
0x78: {  	_ =	shalt  }
0x79: {  	_ =	shalt  }
0x7a: {  	_ =	shalt  }
0x7b: {  	_ =	shalt  }
0x7c: {  	_ =	shalt  }
0x7d: {  	_ =	shalt  }
0x7e: {  	_ =	shalt  }
0x7f: {  	_ =	shalt  }
0x80: {  	_ =	shalt  }
0x81: {  	_ =	shalt  }
0x82: {  	_ =	shalt  }
0x83: {  	_ =	shalt  }
0x84: {  	_ =	shalt  }
0x85: {  	_ =	shalt  }
0x86: {  	_ =	shalt  }
0x87: {  	_ =	shalt  }
.Lfunc_end0:
.L_simem_size_0:
called_computation.3_lowered:
.L_overlay_start_0:
0x88: {  	s0 =	sld [smem:$0x3FD9]  }
0x89: {  	s1 =	sld [smem:$0x3FFE];
	_ =	sdelay $0x3  }
0x8a: {  	s0 =	sadd.s32 s1, s0  }
0x8b: {  	[smem:$0x3FC1] =	sst s0  }
0x8c: {  	_ = 	snop  }
0x8d: {  	(tm) =	ssettm $0x1  }
0x8e: {  	s15 =	sld [smem:$0x3FFB];
	_ =	sdelay $0x3  }
0x8f: {  	_ =	strace s15  }
0x90: {  	s0 =	sld [smem:$0x3FFC];
	_ =	sdelay $0x3  }
0x91: {  	_ =	strace s0  }
0x92: {  	s0 =	sld [smem:$0x3FFD];
	_ =	sdelay $0x3  }
0x93: {  	_ =	strace s0  }
0x94: {  	_ =	strace $0x8FFFFFFF  }
0x95: {  	s16 =	sld [smem:$0x3FDB];
	_ =	sdelay $0x1  }
0x96: {  	s17 =	simm.s32 $_scs_section_size  }
0x97: {  	s2 =	simm.s32 $_size__tile_overlayer_lowered;
	s3 =	simm.s32 $_tile_overlayer_lowered  }
0x98: {  	s20 =	simm.s32 $0x1BFF;
	s19 =	sshll.u32 s3, $0x1;
	s0 =	sadd.s32 s17, s16  }
0x99: {  	s4 =	simm.s32 $0x0;
	s18 =	sshll.u32 s2, $0x1;
	s2 =	sadd.s32 s19, s0  }
0x9a: {  	[timem:s4], [sflag:s20] =	dma.local [hbm:s2], s18  }
0x9b: {  	_ =	swait.ge [sflag:s20], s18  }
0x9c: {  	s1 =	ssub.s32 $0x0, s18;
	[sflag:s20] =	ssyncset.done $0x0  }
0x9d: {  	[sflag:s20] =	ssyncadd.s32 s1;
	_ =	sdelay $0x1  }
0x9e: {  	s21 =	simm.s32 $0x1B8B  }
0x9f: {  	_ =	swait.ge [sflag:s21], $0x1  }
0xa0: {  	[sflag:s21] =	ssyncset.done $0x0  }
0xa1: {  	s23 =	simm.s32 $0x1B8E;
	s22 =	sld [smem:$0x3FFE];
	[sflag:s21] =	ssyncadd.s32 $0xFFFFFFFF  }
0xa2: {  	s24 =	simm.s32 $execute0_lowered;
	[smem:$0x3FD2] =	sst s23  }
0xa3: {  	s2 =	sshll.u32 s24, $0x1;
	_ =	strace $0x80000049;
	[dreg:$0x1] =	wrdreg $0xFFFFFFFF  }
0xa4: {  	s25 =	simm.s32 $_size_execute0_lowered;
	s0 =	sadd.s32 s0, s2;
	[dreg:$0x0] =	wrdreg $0x0  }
0xa5: {  	s2 =	sshll.u32 s25, $0x1;
	[dreg:$0x2] =	wrdreg s0  }
0xa6: {  	[dreg:$0x3] =	wrdreg s2  }
0xa7: {  	[dreg:$0x4] =	wrdreg $0xC0  }
0xa8: {  	_ =	task [dreg:s4], $0x5FFFF  }
0xa9: {  	[dreg:$0x1] =	wrdreg $0xFFFFFFFF  }
0xaa: {  	[dreg:$0x0] =	wrdreg $0x60  }
0xab: {  	[dreg:$0x2] =	wrdreg s22  }
0xac: {  	[dreg:$0x3] =	wrdreg $0xB  }
0xad: {  	_ =	task.clear_ibuf [dreg:s4], $0x4FFFF;
	_ =	strace $0x90000049  }
0xae: {  	s26 =	simm.s32 $0xB;
	_ =	strace $0x8000004B  }
0xaf: {  	_ =	swait.ge [sflag:s26], $0x1  }
0xb0: {  	[sflag:s26] =	ssyncadd.s32 $0xFFFFFFFF  }
0xb1: {  	_ =	strace $0x9000004B  }
0xb2: {  	_ =	sfence  }
0xb3: {  	s28 =	sld [smem:$0x0];
	_ =	sdelay $0x1  }
0xb4: {  	s29 =	srdreg.scid  }
0xb5: {  	s30 =	sshll.u32 s29, $0xD;
	s31 =	sshrl.u32 s29, $0x2  }
0xb6: {  	s1 =	sand.u32 $0x1, s29;
	s2 =	sand.u32 $0x4000, s30;
	s0 =	sadd.s32 s31, s28  }
0xb7: {  	s1 =	sor.u32 s2, s1;
	s0 =	sshll.u32 s0, $0x11  }
0xb8: {  	s0 =	sor.u32 s0, s1  }
0xb9: {  	s0 =	sadd.s32 $0x8F2B, s0  }
0xba: {  	[sflag:s0] =	ssyncadd.remote.s32 $0x1  }
0xbb: {  	_ =	sfence.sel $0xFFFF  }
0xbc: {  	[dreg:$0x0] =	wrdreg $0xFFFFFFFF;
	(pc) =	sbr.abs _section_cstart, $3  }
0xbd: {  	[dreg:$0x1] =	wrdreg $0xFFFFFFFF  }
0xbe: {  	_ =	task.clear_ibuf [dreg:s4], $0x2FFFF;
	_ =	strace $0x9FFFFFFF  }
0xbf: {  	(tm) =	ssettm $0x7FFFFFFF  }
tec
execute0_lowered:
.L_overlay_start_1:
0x0: {  	(tag) =	ssettag $0x1  }
0x1: {  	s2 =	rddreg [dreg:$0x0]  }
0x2: {  	s0 =	rddreg [dreg:$0x1]  }
0x3: {  	_ =	strace $0x8000004A;
	s4 =	simm.s32 $0x1;
	s1 =	stileid.u32  }
0x4: {  	s7 =	simm.s32 $0x1;
	s8 =	simm.s32 $0x1;
	s6 =	simm.s32 $0x2  }
0x5: {  	s9 =	simm.s32 $0x3;
	s10 =	simm.s32 $0x0;
	s13 =	simm.s32 $0x0  }
.Ltmp0:
0x6: {  	s12 =	simm.s32 $0x0;
	p0 =	slt.u32 s1, $0xA;
	(pc) =	sbr.rel .LBB2_1-.Ltmp0, $4  }
0x7: {  	[sflag:s4] =	ssyncpa.u1 $0x0;
	s7 =	simm.s32 @!p0 $0x0;
	p0 =	sne.s32 s1, $0x9  }
0x8: {  	s5 =	smul.u32 $0xF0, s1;
	[sflag:s6] =	ssyncpa.u1 $0x0;
	s8 =	simm.s32 @!p0 $0x0  }
0x9: {  	s3 =	sadd.s32 $0x2400, s2;
	[sflag:s9] =	ssyncpa.u1 $0x0;
	s7 =	sadd.s32 s8, s7  }
0xa: {  	vm0 =	vmmov $0xffff;
	s11 =	smov.u32 s5;
	s8 =	sadd.s32 $0x6800, s2;
	s9 =	sadd.s32 $0x1, s7  }
.LBB2_4:
0xb: {  	v2 =	vnsel vm1, $0x0, v2  }
0xc: {  	vm1 =	vgt.s32 v0, $0x0;
	v2 =	vmin.u32 v2, $0xF80F  }
0xd: {  	v0 =	vnsel vm1, $0x0, v0  }
0xe: {  	v0 =	vmin.u32 v0, $0xF80F  }
0xf: {  	[tilespmem:s18], [sflag:$0x1] =	stream.indirect_vreg.gather [hbm4b:s3+s10], $0x1, v1, vm0, $0x4038;
	[tilespmem:$0x3C0] =	vst v63  }
0x10: {  	(ifvalue) =	ssetifvalue $0x7FFFFFFF  }
0x11: {  	[tilespmem:s15], [sflag:$0x1] =	stream.indirect_vreg.gather [hbm4b:s3+s10], $0x1, v2, vm0, $0x4038;
	[tilespmem:$0x3C0] =	vst v63  }
0x12: {  	s29 =	sadd.s32 $0x10, s15;
	(ifvalue) =	ssetifvalue $0x7FFFFFFF  }
0x13: {  	[tilespmem:s29], [sflag:$0x1] =	stream.indirect_vreg.gather [hbm4b:s3+s10], $0x1, v0, vm0, $0x4038;
	[tilespmem:$0x3C0] =	vst v63  }
0x14: {  	_ =	swait.ge [sflag:s4], $0xF0  }
0x15: {  	s30 =	sshrl.u32 s13, $0x3;
	[sflag:s4] =	ssyncset.done $0x0  }
0x16: {  	s31 =	sand.u32 $0x7, s13;
	s15 =	sadd.s32 s8, s30;
	[sflag:s4] =	ssyncadd.s32 $0xFFFFFF10  }
0x17: {  	[hbm4b:s15+s31] =	stream.linear.scatter [tilespmem:s14], [sflag:$0x3], $0xF0, $0x38;
	[tilespmem:$0x3C0] =	vst v63  }
.LBB2_5:
0x18: {  	s15 =	sadd.s32 $0xF00, s11  }
0x19: {  	p1 =	sgt.s32 s15, $0x176F  }
0x1a: {  	s15 =	smov.u32 @p1 s5;
	p1 =	sne.s32 s12, s9  }
.Ltmp1:
0x1b: {  	p0 =	slt.u32 s12, $0x2;
	(pc) =	sbr.rel @!p1 .LBB2_6-.Ltmp1, $4  }
0x1c: {  	s14 =	simm.s32 @!p0 $0x3  }
0x1d: {  	_ =	swait.ge @!p0 [sflag:s14], $0xF0  }
0x1e: {  	s16 =	sadd.s32 $0x1, s12;
	s13 =	smov.u32 s11;
	[sflag:s14] =	ssyncset.done @!p0 $0x0  }
0x1f: {  	s12 =	smov.u32 s16;
	s11 =	smov.u32 s15;
	[sflag:s14] =	ssyncadd.s32 @!p0 $0xFFFFFF10  }
.LBB2_1:
0x20: {  	p0 =	sge.u32 s12, s7  }
0x21: {  	s14 =	sxor.u32 @!p0 $0x1, s12  }
0x22: {  	s14 =	smul.u32 @!p0 $0x3C0, s14  }
0x23: {  	s31 =	sadd.s32 $0xFFFFFFFF, s12;
	s15 =	sshrl.u32 @!p0 s11, $0x3  }
0x24: {  	s16 =	sand.u32 @!p0 $0x7, s11;
	s15 =	sadd.s32 @!p0 s2, s15;
	s14 =	sshra.s32 @!p0 s14, $0x2  }
0x25: {  	[tilespmem:s14], [sflag:$0x2] =	stream.linear.gather @!p0 [hbm4b:s15+s16], $0xF0, $0x38;
	[tilespmem:$0x3C0] =	vst v63  }
0x26: {  	p0 =	sge.u32 s31, s7  }
.Ltmp2:
0x27: {  	_ = 	snop;
	(pc) =	sbr.rel @p0 .LBB2_5-.Ltmp2, $1  }
0x28: {  	_ =	sdelay $0x3  }
0x29: {  	s14 =	sand.u32 $0x1, s12  }
0x2a: {  	_ =	swait.ge [sflag:s6], $0xF0;
	p0 =	seq.s32 s14, $0x1;
	s14 =	simm.s32 $0xF0  }
0x2b: {  	[sflag:s6] =	ssyncset.done $0x0;
	s14 =	simm.s32 @!p0 $0x0  }
0x2c: {  	[sflag:s6] =	ssyncadd.s32 $0xFFFFFF10;
	(ifvalue) =	ssetifvalue $0x7FFFFFFF;
	v0 =	vld.msk [tilespmem:s14+$0x0 ss:$0x1], $0xffff;
	_ =	sdelay $0x4  }
0x2d: {  	s15 =	sadd.s32 $0x10, s14;
	vm1 =	vgt.s32 v0, $0x0  }
0x2e: {  	v2 =	vld.msk [tilespmem:s15+$0x0 ss:$0x1], $0xffff;
	v1 =	vnsel vm1, $0x0, v0  }
0x2f: {  	v1 =	vmin.u32 v1, $0xF80F;
	_ =	sdelay $0x2  }
0x30: {  	s17 =	simm.s32 $0x20;
	s14 =	sadd.s32 $0x1E0, s14;
	s16 =	sadd.s32 $0x10, s15  }
0x31: {  	s15 =	sadd.s32 $0x10, s14;
	s18 =	smov.u32 s14;
	v0 =	vld.msk [tilespmem:s16+$0x0 ss:$0x1], $0xffff;
	vm1 =	vgt.s32 v2, $0x0;
	(ifvalue) =	ssetifvalue $0x7FFFFFFF  }
.LBB2_3:
0x32: {  	[tilespmem:s18], [sflag:$0x1] =	stream.indirect_vreg.gather [hbm4b:s3+s10], $0x1, v1, vm0, $0x4038;
	[tilespmem:$0x3C0] =	vst v63  }
0x33: {  	s17 =	sadd.s32 $0x10, s17  }
0x34: {  	v2 =	vnsel vm1, $0x0, v2;
	p0 =	slt.u32 s17, $0xE0  }
.Ltmp3:
0x35: {  	s18 =	smov.u32 s15;
	v1 =	vmin.u32 v2, $0xF80F;
	(pc) =	sbr.rel @p0 .LBB2_3-.Ltmp3, $3  }
0x36: {  	_ =	sdelay $0x1  }
0x37: {  	s16 =	sadd.s32 $0x10, s16  }
0x38: {  	vm1 =	vgt.s32 v0, $0x0;
	s15 =	sadd.s32 $0x10, s15;
	v2 =	vmov v0;
	(ifvalue) =	ssetifvalue $0x7FFFFFFF;
	v0 =	vld.msk [tilespmem:s16+$0x0 ss:$0x1], $0xffff  }
.Ltmp4:
0x39: {  	_ = 	snop;
	(pc) =	sbr.rel .LBB2_4-.Ltmp4, $1  }
0x3a: {  	_ =	sdelay $0x3  }
.LBB2_6:
0x3b: {  	_ =	sfence.sel $0x180000  }
0x3c: {  	s2 =	simm.s32 $0x2;
	[bflag:$0x0] =	sbarrier.arrive $0xFFFF  }
0x3d: {  	s30 =	simm.s32 $0x3;
	[sflag:s2] =	ssyncpa.u1 $0x1  }
0x3e: {  	s31 =	simm.s32 $0x1;
	[sflag:s30] =	ssyncpa.u1 $0x1  }
0x3f: {  	[sflag:s31] =	ssyncpa.u1 $0x1  }
0x40: {  	p0 =	sne.s32 s1, $0x0;
	_ =	strace $0x9000004A  }
0x41: {  	s0 =	sadd.s32 @!p0 $0x100000, s0;
	[bflag:$0x2] =	sbarrier.arrive $0xFFFF  }
0x42: {  	[sflag:s0] =	ssyncadd.tile.s32 @!p0 $0x1;
	_ =	shalt  }
.Lfunc_end2:
_tile_overlayer_lowered:
.L_overlay_start_2:
0x43: {  	(tag) =	ssettag $0x2  }
0x44: {  	s0 =	rddreg [dreg:$0x0];
	s2 =	stileid.u32  }
0x45: {  	s1 =	rddreg [dreg:$0x1];
	p0 =	sne.s32 s2, $0x0  }
0x46: {  	s3 =	rddreg [dreg:$0x2];
	[bflag:$0x3] =	sbarrier.arrive $0xFFFF;
	s2 =	simm.s32 @!p0 $0x1C01  }
0x47: {  	[timem:s3], [sflag:s2] =	dma.local @!p0 [hbm:s0], s1  }
0x48: {  	s0 =	simm.s32 @!p0 $0x1  }
0x49: {  	_ =	swait.ge @!p0 [sflag:s0], s1  }
0x4a: {  	s1 =	ssub.s32 @!p0 $0x0, s1;
	[sflag:s0] =	ssyncset.done @!p0 $0x0  }
0x4b: {  	[sflag:s0] =	ssyncadd.s32 @!p0 s1  }
0x4c: {  	[bflag:$0x3] =	sbarrier.arrive $0xFFFF  }
0x4d: {  	_ =	shalt  }

// kernel: gather_offload_async_start
scs
__scs_entry_jumppad:
0x0: {  	(pc) =	sbr.rel $0x88, $3  }
0x1: {  	(tag) =	ssettag $0x0;
	lr =	simm.s32 $0x1  }
0x2: {  	[smem:$0x3F9A] =	sst lr;
	_ =	strace $0xD0000000  }
0x3: {  	_ = 	snop  }
0x4: {  	_ = 	snop  }
0x5: {  	_ = 	snop  }
0x6: {  	_ = 	snop  }
0x7: {  	_ = 	snop  }
__scs_overlays_trampoline_lowered:
0x8: {  	[smem:$0x3FA9] =	sst s0  }
0x9: {  	[smem:$0x3FAA] =	sst s1  }
0xa: {  	[smem:$0x3FAB] =	sst s2  }
0xb: {  	[smem:$0x3FAC] =	sst s3  }
0xc: {  	[smem:$0x3FAD] =	sst s4  }
0xd: {  	[smem:$0x3FAE] =	sst s5  }
0xe: {  	[smem:$0x3FAF] =	sst s6  }
0xf: {  	[smem:$0x3FB0] =	sst s7  }
0x10: {  	[smem:$0x3FB1] =	sst s8  }
0x11: {  	[smem:$0x3FB2] =	sst s9;
	s0 =	simm.s32 @!p0 $0x0  }
0x12: {  	s1 =	sld [smem:$0x3F98];
	s0 =	simm.s32 @p0 $0x1  }
0x13: {  	[smem:$0x3FB3] =	sst s0;
	s0 =	simm.s32 @!p1 $0x0  }
0x14: {  	s2 =	sld [smem:$0x3F97];
	s0 =	simm.s32 @p1 $0x1  }
0x15: {  	[smem:$0x3FB4] =	sst s0;
	s0 =	simm.s32 @!p2 $0x0  }
0x16: {  	s3 =	sld [smem:$0x3FDB];
	s0 =	simm.s32 @p2 $0x1  }
0x17: {  	s4 =	simm.s32 $0x1BF5;
	[smem:$0x3FB6] =	sst s0  }
0x18: {  	s0 =	sld [smem:$0x3F99];
	_ =	swait.ge [sflag:s4], $0x0  }
0x19: {  	s7 =	sld [smem:$0x3F9A]  }
0x1a: {  	s8 =	sadd.s32 $0xFFFFE003, lr  }
0x1b: {  	s9 =	sadd.s32 $0xFFFFFEF7, lr;
	s5 =	simm.s32 $0xFFFFFFFF;
	p2 =	slt.u32 s8, $0xFFFFF086  }
0x1c: {  	p1 =	slt.u32 s9, $0xF7A;
	s5 =	simm.s32 @!p2 $0x0  }
0x1d: {  	s5 =	simm.s32 @p1 $0x1;
	p0 =	seq.s32 s7, s2  }
0x1e: {  	s7 =	smul.u32 @!p0 $0xF7A, s2;
	p2 =	seq.s32 @!p0 s5, $0x0  }
0x1f: {  	s9 =	smul.u32 $0xF7A, s1;
	s8 =	simm.s32 @!p0 $0x1BF5;
	p2 =	por !p2, p0  }
0x20: {  	[sflag:s8] =	ssyncset.s32 @!p0 $0xFFFFF086;
	s6 =	sadd.s32 @!p0 s3, s7;
	s7 =	simm.s32 @!p0 $0x108  }
0x21: {  	s3 =	sadd.s32 s3, s9;
	s6 =	sadd.s32 @!p0 $0x88, s6;
	s7 =	simm.s32 @p2 $0x1082  }
0x22: {  	[simem:s7], [sflag:s8] =	dma.local @!p0 [hbm:s6], $0xF7A  }
0x23: {  	s9 =	sor.u32 $0xD0000000, s2;
	s6 =	simm.s32 $0x108;
	_ =	swait.ge @!p0 [sflag:s8], $0x0  }
0x24: {  	s3 =	sadd.s32 $0x88, s3;
	s6 =	simm.s32 @!p1 $0x1082;
	[sflag:s4] =	ssyncset.s32 $0xFFFFF086  }
0x25: {  	[simem:s6], [sflag:s4] =	dma.local [hbm:s3], $0xF7A  }
0x26: {  	[smem:$0x3F9A] =	sst s1;
	(tag) =	ssettag s2;
	_ =	strace s9  }
0x27: {  	s1 =	sld [smem:$0x3FAA]  }
0x28: {  	s2 =	sld [smem:$0x3FAB]  }
0x29: {  	s4 =	sld [smem:$0x3FAD]  }
0x2a: {  	p0 =	seq.s32 s5, $0x0;
	s5 =	sld [smem:$0x3FAE]  }
0x2b: {  	s6 =	sld [smem:$0x3FAF]  }
0x2c: {  	s7 =	sld [smem:$0x3FB0]  }
0x2d: {  	s3 =	simm.s32 $0x108;
	s8 =	sld [smem:$0x3FB1]  }
0x2e: {  	s3 =	simm.s32 @!p0 $0x1082;
	s9 =	sld [smem:$0x3FB2]  }
0x2f: {  	lr =	sadd.s32 s0, s3;
	s0 =	sld [smem:$0x3FA9]  }
0x30: {  	s3 =	sld [smem:$0x3FAC]  }
0x31: {  	[smem:$0x3FB5] =	sst s10  }
0x32: {  	s10 =	sld [smem:$0x3FB3];
	_ =	sdelay $0x3  }
0x33: {  	p0 =	seq.s32 s10, $0x1;
	s10 =	sld [smem:$0x3FB5];
	_ =	sdelay $0x3  }
0x34: {  	[smem:$0x3FB5] =	sst s10  }
0x35: {  	s10 =	sld [smem:$0x3FB4];
	_ =	sdelay $0x3  }
0x36: {  	p1 =	seq.s32 s10, $0x1;
	s10 =	sld [smem:$0x3FB5];
	_ =	sdelay $0x3  }
0x37: {  	[smem:$0x3FB5] =	sst s10  }
0x38: {  	s10 =	sld [smem:$0x3FB6]  }
0x39: {  	_ = 	snop;
	(pc) =	sbr.ind lr, $3  }
0x3a: {  	_ = 	snop  }
0x3b: {  	_ = 	snop  }
0x3c: {  	p2 =	seq.s32 s10, $0x1;
	s10 =	sld [smem:$0x3FB5]  }
0x3d: {  	_ =	shalt  }
0x3e: {  	_ =	shalt  }
0x3f: {  	_ =	shalt  }
0x40: {  	_ =	shalt  }
0x41: {  	_ =	shalt  }
0x42: {  	_ =	shalt  }
0x43: {  	_ =	shalt  }
0x44: {  	_ =	shalt  }
0x45: {  	_ =	shalt  }
0x46: {  	_ =	shalt  }
0x47: {  	_ =	shalt  }
0x48: {  	_ =	shalt  }
0x49: {  	_ =	shalt  }
0x4a: {  	_ =	shalt  }
0x4b: {  	_ =	shalt  }
0x4c: {  	_ =	shalt  }
0x4d: {  	_ =	shalt  }
0x4e: {  	_ =	shalt  }
0x4f: {  	_ =	shalt  }
0x50: {  	_ =	shalt  }
0x51: {  	_ =	shalt  }
0x52: {  	_ =	shalt  }
0x53: {  	_ =	shalt  }
0x54: {  	_ =	shalt  }
0x55: {  	_ =	shalt  }
0x56: {  	_ =	shalt  }
0x57: {  	_ =	shalt  }
0x58: {  	_ =	shalt  }
0x59: {  	_ =	shalt  }
0x5a: {  	_ =	shalt  }
0x5b: {  	_ =	shalt  }
0x5c: {  	_ =	shalt  }
0x5d: {  	_ =	shalt  }
0x5e: {  	_ =	shalt  }
0x5f: {  	_ =	shalt  }
0x60: {  	_ =	shalt  }
0x61: {  	_ =	shalt  }
0x62: {  	_ =	shalt  }
0x63: {  	_ =	shalt  }
0x64: {  	_ =	shalt  }
0x65: {  	_ =	shalt  }
0x66: {  	_ =	shalt  }
0x67: {  	_ =	shalt  }
0x68: {  	_ =	shalt  }
0x69: {  	_ =	shalt  }
0x6a: {  	_ =	shalt  }
0x6b: {  	_ =	shalt  }
0x6c: {  	_ =	shalt  }
0x6d: {  	_ =	shalt  }
0x6e: {  	_ =	shalt  }
0x6f: {  	_ =	shalt  }
0x70: {  	_ =	shalt  }
0x71: {  	_ =	shalt  }
0x72: {  	_ =	shalt  }
0x73: {  	_ =	shalt  }
0x74: {  	_ =	shalt  }
0x75: {  	_ =	shalt  }
0x76: {  	_ =	shalt  }
0x77: {  	_ =	shalt  }
0x78: {  	_ =	shalt  }
0x79: {  	_ =	shalt  }
0x7a: {  	_ =	shalt  }
0x7b: {  	_ =	shalt  }
0x7c: {  	_ =	shalt  }
0x7d: {  	_ =	shalt  }
0x7e: {  	_ =	shalt  }
0x7f: {  	_ =	shalt  }
0x80: {  	_ =	shalt  }
0x81: {  	_ =	shalt  }
0x82: {  	_ =	shalt  }
0x83: {  	_ =	shalt  }
0x84: {  	_ =	shalt  }
0x85: {  	_ =	shalt  }
0x86: {  	_ =	shalt  }
0x87: {  	_ =	shalt  }
.Lfunc_end0:
.L_simem_size_0:
called_computation_lowered:
.L_overlay_start_0:
0x88: {  	s0 =	sld [smem:$0x3FD9]  }
0x89: {  	s1 =	sld [smem:$0x3FFE];
	_ =	sdelay $0x3  }
0x8a: {  	s0 =	sadd.s32 s1, s0  }
0x8b: {  	[smem:$0x3FC1] =	sst s0  }
0x8c: {  	_ = 	snop  }
0x8d: {  	(tm) =	ssettm $0x1  }
0x8e: {  	s15 =	sld [smem:$0x3FFB];
	_ =	sdelay $0x3  }
0x8f: {  	_ =	strace s15  }
0x90: {  	s0 =	sld [smem:$0x3FFC];
	_ =	sdelay $0x3  }
0x91: {  	_ =	strace s0  }
0x92: {  	s0 =	sld [smem:$0x3FFD];
	_ =	sdelay $0x3  }
0x93: {  	_ =	strace s0  }
0x94: {  	_ =	strace $0x8FFFFFFF  }
0x95: {  	s16 =	sld [smem:$0x3FDB];
	_ =	sdelay $0x1  }
0x96: {  	s17 =	simm.s32 $_scs_section_size  }
0x97: {  	s2 =	simm.s32 $_size__tile_overlayer_lowered;
	s3 =	simm.s32 $_tile_overlayer_lowered  }
0x98: {  	s20 =	simm.s32 $0x1BFF;
	s19 =	sshll.u32 s3, $0x1;
	s0 =	sadd.s32 s17, s16  }
0x99: {  	s4 =	simm.s32 $0x0;
	s18 =	sshll.u32 s2, $0x1;
	s2 =	sadd.s32 s19, s0  }
0x9a: {  	[timem:s4], [sflag:s20] =	dma.local [hbm:s2], s18  }
0x9b: {  	_ =	swait.ge [sflag:s20], s18  }
0x9c: {  	s1 =	ssub.s32 $0x0, s18;
	[sflag:s20] =	ssyncset.done $0x0  }
0x9d: {  	[sflag:s20] =	ssyncadd.s32 s1;
	_ =	sdelay $0x1  }
0x9e: {  	s21 =	simm.s32 $0x1B8B  }
0x9f: {  	_ =	swait.ge [sflag:s21], $0x1  }
0xa0: {  	[sflag:s21] =	ssyncset.done $0x0  }
0xa1: {  	s23 =	simm.s32 $0x1B8E;
	s22 =	sld [smem:$0x3FFE];
	[sflag:s21] =	ssyncadd.s32 $0xFFFFFFFF  }
0xa2: {  	s24 =	simm.s32 $execute0_lowered;
	[smem:$0x3FD2] =	sst s23  }
0xa3: {  	s2 =	sshll.u32 s24, $0x1;
	_ =	strace $0x8000004F;
	[dreg:$0x1] =	wrdreg $0xFFFFFFFF  }
0xa4: {  	s25 =	simm.s32 $_size_execute0_lowered;
	s0 =	sadd.s32 s0, s2;
	[dreg:$0x0] =	wrdreg $0x0  }
0xa5: {  	s2 =	sshll.u32 s25, $0x1;
	[dreg:$0x2] =	wrdreg s0  }
0xa6: {  	[dreg:$0x3] =	wrdreg s2  }
0xa7: {  	[dreg:$0x4] =	wrdreg $0xC0  }
0xa8: {  	_ =	task [dreg:s4], $0x5FFFF  }
0xa9: {  	[dreg:$0x1] =	wrdreg $0xFFFFFFFF  }
0xaa: {  	[dreg:$0x0] =	wrdreg $0x60  }
0xab: {  	[dreg:$0x2] =	wrdreg s22  }
0xac: {  	[dreg:$0x3] =	wrdreg $0xA  }
0xad: {  	_ =	task.clear_ibuf [dreg:s4], $0x4FFFF;
	_ =	strace $0x9000004F  }
0xae: {  	s26 =	simm.s32 $0xA;
	_ =	strace $0x80000051  }
0xaf: {  	_ =	swait.ge [sflag:s26], $0x1  }
0xb0: {  	[sflag:s26] =	ssyncadd.s32 $0xFFFFFFFF  }
0xb1: {  	_ =	strace $0x90000051  }
0xb2: {  	_ =	sfence  }
0xb3: {  	s28 =	sld [smem:$0x0];
	_ =	sdelay $0x1  }
0xb4: {  	s29 =	srdreg.scid  }
0xb5: {  	s30 =	sshll.u32 s29, $0xD;
	s31 =	sshrl.u32 s29, $0x2  }
0xb6: {  	s1 =	sand.u32 $0x1, s29;
	s2 =	sand.u32 $0x4000, s30;
	s0 =	sadd.s32 s31, s28  }
0xb7: {  	s1 =	sor.u32 s2, s1;
	s0 =	sshll.u32 s0, $0x11  }
0xb8: {  	s0 =	sor.u32 s0, s1  }
0xb9: {  	s0 =	sadd.s32 $0x8F2B, s0  }
0xba: {  	[sflag:s0] =	ssyncadd.remote.s32 $0x1  }
0xbb: {  	_ =	sfence.sel $0xFFFF  }
0xbc: {  	[dreg:$0x0] =	wrdreg $0xFFFFFFFF;
	(pc) =	sbr.abs _section_cstart, $3  }
0xbd: {  	[dreg:$0x1] =	wrdreg $0xFFFFFFFF  }
0xbe: {  	_ =	task.clear_ibuf [dreg:s4], $0x2FFFF;
	_ =	strace $0x9FFFFFFF  }
0xbf: {  	(tm) =	ssettm $0x7FFFFFFF  }
tec
execute0_lowered:
.L_overlay_start_1:
0x0: {  	(tag) =	ssettag $0x1  }
0x1: {  	s2 =	rddreg [dreg:$0x0]  }
0x2: {  	s0 =	rddreg [dreg:$0x1]  }
0x3: {  	_ =	strace $0x80000050;
	s4 =	simm.s32 $0x1;
	s1 =	stileid.u32  }
0x4: {  	s7 =	simm.s32 $0x1;
	s8 =	simm.s32 $0x1;
	s6 =	simm.s32 $0x2  }
0x5: {  	s9 =	simm.s32 $0x3;
	s10 =	simm.s32 $0x0;
	s13 =	simm.s32 $0x0  }
.Ltmp0:
0x6: {  	s12 =	simm.s32 $0x0;
	p0 =	slt.u32 s1, $0xA;
	(pc) =	sbr.rel .LBB2_1-.Ltmp0, $4  }
0x7: {  	[sflag:s4] =	ssyncpa.u1 $0x0;
	s7 =	simm.s32 @!p0 $0x0;
	p0 =	sne.s32 s1, $0x9  }
0x8: {  	s5 =	smul.u32 $0xF0, s1;
	[sflag:s6] =	ssyncpa.u1 $0x0;
	s8 =	simm.s32 @!p0 $0x0  }
0x9: {  	s3 =	sadd.s32 $0x6C00, s2;
	[sflag:s9] =	ssyncpa.u1 $0x0;
	s7 =	sadd.s32 s8, s7  }
0xa: {  	vm0 =	vmmov $0xffff;
	s11 =	smov.u32 s5;
	s8 =	sadd.s32 $0x400, s2;
	s9 =	sadd.s32 $0x1, s7  }
.LBB2_4:
0xb: {  	v2 =	vnsel vm1, $0x0, v2  }
0xc: {  	vm1 =	vgt.s32 v0, $0x0;
	v2 =	vmin.u32 v2, $0xF80F  }
0xd: {  	v0 =	vnsel vm1, $0x0, v0  }
0xe: {  	v0 =	vmin.u32 v0, $0xF80F  }
0xf: {  	[tilespmem:s18], [sflag:$0x1] =	stream.indirect_vreg.gather [hbm4b:s3+s10], $0x1, v1, vm0, $0x4038;
	[tilespmem:$0x3C0] =	vst v63  }
0x10: {  	(ifvalue) =	ssetifvalue $0x7FFFFFFF  }
0x11: {  	[tilespmem:s15], [sflag:$0x1] =	stream.indirect_vreg.gather [hbm4b:s3+s10], $0x1, v2, vm0, $0x4038;
	[tilespmem:$0x3C0] =	vst v63  }
0x12: {  	s29 =	sadd.s32 $0x10, s15;
	(ifvalue) =	ssetifvalue $0x7FFFFFFF  }
0x13: {  	[tilespmem:s29], [sflag:$0x1] =	stream.indirect_vreg.gather [hbm4b:s3+s10], $0x1, v0, vm0, $0x4038;
	[tilespmem:$0x3C0] =	vst v63  }
0x14: {  	_ =	swait.ge [sflag:s4], $0xF0  }
0x15: {  	s30 =	sshrl.u32 s13, $0x3;
	[sflag:s4] =	ssyncset.done $0x0  }
0x16: {  	s31 =	sand.u32 $0x7, s13;
	s15 =	sadd.s32 s8, s30;
	[sflag:s4] =	ssyncadd.s32 $0xFFFFFF10  }
0x17: {  	[hbm4b:s15+s31] =	stream.linear.scatter [tilespmem:s14], [sflag:$0x3], $0xF0, $0x38;
	[tilespmem:$0x3C0] =	vst v63  }
.LBB2_5:
0x18: {  	s15 =	sadd.s32 $0xF00, s11  }
0x19: {  	p1 =	sgt.s32 s15, $0x176F  }
0x1a: {  	s15 =	smov.u32 @p1 s5;
	p1 =	sne.s32 s12, s9  }
.Ltmp1:
0x1b: {  	p0 =	slt.u32 s12, $0x2;
	(pc) =	sbr.rel @!p1 .LBB2_6-.Ltmp1, $4  }
0x1c: {  	s14 =	simm.s32 @!p0 $0x3  }
0x1d: {  	_ =	swait.ge @!p0 [sflag:s14], $0xF0  }
0x1e: {  	s16 =	sadd.s32 $0x1, s12;
	s13 =	smov.u32 s11;
	[sflag:s14] =	ssyncset.done @!p0 $0x0  }
0x1f: {  	s12 =	smov.u32 s16;
	s11 =	smov.u32 s15;
	[sflag:s14] =	ssyncadd.s32 @!p0 $0xFFFFFF10  }
.LBB2_1:
0x20: {  	p0 =	sge.u32 s12, s7  }
0x21: {  	s14 =	sxor.u32 @!p0 $0x1, s12  }
0x22: {  	s14 =	smul.u32 @!p0 $0x3C0, s14  }
0x23: {  	s31 =	sadd.s32 $0xFFFFFFFF, s12;
	s15 =	sshrl.u32 @!p0 s11, $0x3  }
0x24: {  	s16 =	sand.u32 @!p0 $0x7, s11;
	s15 =	sadd.s32 @!p0 s2, s15;
	s14 =	sshra.s32 @!p0 s14, $0x2  }
0x25: {  	[tilespmem:s14], [sflag:$0x2] =	stream.linear.gather @!p0 [hbm4b:s15+s16], $0xF0, $0x38;
	[tilespmem:$0x3C0] =	vst v63  }
0x26: {  	p0 =	sge.u32 s31, s7  }
.Ltmp2:
0x27: {  	_ = 	snop;
	(pc) =	sbr.rel @p0 .LBB2_5-.Ltmp2, $1  }
0x28: {  	_ =	sdelay $0x3  }
0x29: {  	s14 =	sand.u32 $0x1, s12  }
0x2a: {  	_ =	swait.ge [sflag:s6], $0xF0;
	p0 =	seq.s32 s14, $0x1;
	s14 =	simm.s32 $0xF0  }
0x2b: {  	[sflag:s6] =	ssyncset.done $0x0;
	s14 =	simm.s32 @!p0 $0x0  }
0x2c: {  	[sflag:s6] =	ssyncadd.s32 $0xFFFFFF10;
	(ifvalue) =	ssetifvalue $0x7FFFFFFF;
	v0 =	vld.msk [tilespmem:s14+$0x0 ss:$0x1], $0xffff;
	_ =	sdelay $0x4  }
0x2d: {  	s15 =	sadd.s32 $0x10, s14;
	vm1 =	vgt.s32 v0, $0x0  }
0x2e: {  	v2 =	vld.msk [tilespmem:s15+$0x0 ss:$0x1], $0xffff;
	v1 =	vnsel vm1, $0x0, v0  }
0x2f: {  	v1 =	vmin.u32 v1, $0xF80F;
	_ =	sdelay $0x2  }
0x30: {  	s17 =	simm.s32 $0x20;
	s14 =	sadd.s32 $0x1E0, s14;
	s16 =	sadd.s32 $0x10, s15  }
0x31: {  	s15 =	sadd.s32 $0x10, s14;
	s18 =	smov.u32 s14;
	v0 =	vld.msk [tilespmem:s16+$0x0 ss:$0x1], $0xffff;
	vm1 =	vgt.s32 v2, $0x0;
	(ifvalue) =	ssetifvalue $0x7FFFFFFF  }
.LBB2_3:
0x32: {  	[tilespmem:s18], [sflag:$0x1] =	stream.indirect_vreg.gather [hbm4b:s3+s10], $0x1, v1, vm0, $0x4038;
	[tilespmem:$0x3C0] =	vst v63  }
0x33: {  	s17 =	sadd.s32 $0x10, s17  }
0x34: {  	v2 =	vnsel vm1, $0x0, v2;
	p0 =	slt.u32 s17, $0xE0  }
.Ltmp3:
0x35: {  	s18 =	smov.u32 s15;
	v1 =	vmin.u32 v2, $0xF80F;
	(pc) =	sbr.rel @p0 .LBB2_3-.Ltmp3, $3  }
0x36: {  	_ =	sdelay $0x1  }
0x37: {  	s16 =	sadd.s32 $0x10, s16  }
0x38: {  	vm1 =	vgt.s32 v0, $0x0;
	s15 =	sadd.s32 $0x10, s15;
	v2 =	vmov v0;
	(ifvalue) =	ssetifvalue $0x7FFFFFFF;
	v0 =	vld.msk [tilespmem:s16+$0x0 ss:$0x1], $0xffff  }
.Ltmp4:
0x39: {  	_ = 	snop;
	(pc) =	sbr.rel .LBB2_4-.Ltmp4, $1  }
0x3a: {  	_ =	sdelay $0x3  }
.LBB2_6:
0x3b: {  	_ =	sfence.sel $0x180000  }
0x3c: {  	s2 =	simm.s32 $0x2;
	[bflag:$0x0] =	sbarrier.arrive $0xFFFF  }
0x3d: {  	s30 =	simm.s32 $0x3;
	[sflag:s2] =	ssyncpa.u1 $0x1  }
0x3e: {  	s31 =	simm.s32 $0x1;
	[sflag:s30] =	ssyncpa.u1 $0x1  }
0x3f: {  	[sflag:s31] =	ssyncpa.u1 $0x1  }
0x40: {  	p0 =	sne.s32 s1, $0x0;
	_ =	strace $0x90000050  }
0x41: {  	s0 =	sadd.s32 @!p0 $0x100000, s0;
	[bflag:$0x2] =	sbarrier.arrive $0xFFFF  }
0x42: {  	[sflag:s0] =	ssyncadd.tile.s32 @!p0 $0x1;
	_ =	shalt  }
.Lfunc_end2:
_tile_overlayer_lowered:
.L_overlay_start_2:
0x43: {  	(tag) =	ssettag $0x2  }
0x44: {  	s0 =	rddreg [dreg:$0x0];
	s2 =	stileid.u32  }
0x45: {  	s1 =	rddreg [dreg:$0x1];
	p0 =	sne.s32 s2, $0x0  }
0x46: {  	s3 =	rddreg [dreg:$0x2];
	[bflag:$0x3] =	sbarrier.arrive $0xFFFF;
	s2 =	simm.s32 @!p0 $0x1C01  }
0x47: {  	[timem:s3], [sflag:s2] =	dma.local @!p0 [hbm:s0], s1  }
0x48: {  	s0 =	simm.s32 @!p0 $0x1  }
0x49: {  	_ =	swait.ge @!p0 [sflag:s0], s1  }
0x4a: {  	s1 =	ssub.s32 @!p0 $0x0, s1;
	[sflag:s0] =	ssyncset.done @!p0 $0x0  }
0x4b: {  	[sflag:s0] =	ssyncadd.s32 @!p0 s1  }
0x4c: {  	[bflag:$0x3] =	sbarrier.arrive $0xFFFF  }
0x4d: {  	_ =	shalt  }

</sc_bundles>
